<compile_context>
chip_gen: v7x
topology: tpu7x:2x2x1
jax: 0.10.2.dev20260603
libtpu: 0.0.44.dev20260713+nightly
codegen_flags: <defaults>
</compile_context>

<pallas_src>
import functools

import jax
import jax.numpy as jnp
from jax import lax
from jax.experimental import pallas as pl
from jax.experimental.pallas import tpu as pltpu
from jax.experimental.pallas import tpu_sc as plsc

B = 16384
F = 32
L = 16
NC = 2
NS = 16
NW = NC * NS
BPW = B // NW
NCHUNK = 4
CHUNK = BPW // NCHUNK
NGROUP = BPW // L

_mesh = plsc.VectorSubcoreMesh(core_axis_name="c", subcore_axis_name="s")


@functools.partial(
    pl.kernel,
    out_type=jax.ShapeDtypeStruct((B,), jnp.float32),
    mesh=_mesh,
    compiler_params=pltpu.CompilerParams(
        needs_layout_passes=False, use_tc_tiling_on_sc=False),
)
def _sc_fused(user_hbm, item_hbm, ctx_hbm, params_hbm, utab_hbm, itab_hbm,
              out_hbm):
    wid = lax.axis_index("s") * NC + lax.axis_index("c")

    def body(uidx, iidx, ubuf, vbuf, ctxbuf, pbuf, obuf, sem):
        pltpu.sync_copy(user_hbm.at[wid], uidx)
        pltpu.sync_copy(item_hbm.at[wid], iidx)
        pltpu.sync_copy(ctx_hbm.at[0, wid], ctxbuf.at[0])
        pltpu.sync_copy(ctx_hbm.at[1, wid], ctxbuf.at[1])
        pltpu.sync_copy(params_hbm, pbuf)

        copies = []
        for j in range(NCHUNK):
            dst = ubuf.at[pl.ds(j * CHUNK, CHUNK), :]
            copies.append(pltpu.async_copy(utab_hbm.at[uidx.at[j]], dst, sem))
        for j in range(NCHUNK):
            dst = vbuf.at[pl.ds(j * CHUNK, CHUNK), :]
            copies.append(pltpu.async_copy(itab_hbm.at[iidx.at[j]], dst, sem))
        for c in copies:
            c.wait()

        g0 = pbuf[F * L:F * L + L]
        g1 = pbuf[F * L + L:F * L + 2 * L]
        base = pbuf[F * L + 2 * L:F * L + 3 * L]

        lanes = lax.iota(jnp.int32, L)

        def g_body(g, carry):
            off = g * L
            sl = pl.ds(off, L)
            rows = off + lanes
            acc = base + ctxbuf[0, sl] * g0 + ctxbuf[1, sl] * g1
            for f in range(F):
                fv = jnp.full((L,), f, jnp.int32)
                w = pbuf[f * L:(f + 1) * L]
                ug = plsc.load_gather(ubuf, [rows, fv])
                vg = plsc.load_gather(vbuf, [rows, fv])
                acc = acc + ug * vg * w
            obuf[sl] = acc
            return carry

        lax.fori_loop(0, NGROUP, g_body, 0)

        pltpu.sync_copy(obuf, out_hbm.at[pl.ds(wid * BPW, BPW)])

    pl.run_scoped(
        body,
        pltpu.VMEM((NCHUNK, CHUNK), jnp.int32),
        pltpu.VMEM((NCHUNK, CHUNK), jnp.int32),
        pltpu.VMEM((BPW, F), jnp.float32),
        pltpu.VMEM((BPW, F), jnp.float32),
        pltpu.VMEM((2, BPW), jnp.float32),
        pltpu.VMEM((F * L + 3 * L,), jnp.float32),
        pltpu.VMEM((BPW,), jnp.float32),
        pltpu.SemaphoreType.DMA,
    )


def kernel(user, item, context, user_table, item_table, Wc, bc, Wo, bo):
    user3 = user.astype(jnp.int32).reshape(NW, NCHUNK, CHUNK)
    item3 = item.astype(jnp.int32).reshape(NW, NCHUNK, CHUNK)
    ctx3 = context.T.reshape(2, NW, BPW)
    wo = Wo.reshape(F)
    g = Wc @ wo
    base = bc @ wo + bo[0]
    params = jnp.concatenate(
        [jnp.broadcast_to(wo[:, None], (F, L)).reshape(F * L),
         jnp.full((L,), g[0], jnp.float32),
         jnp.full((L,), g[1], jnp.float32),
         jnp.full((L,), base, jnp.float32)]
    )
    return _sc_fused(user3, item3, ctx3, params, user_table, item_table)

# --- scband reference (transcript-rebuilt; emitter-appended) ---
"""Pipeline reference for scband-context-aware-mf-13159779795183 (READ-ONLY COPY).

The authoritative reference and input builder live on the scoring server;
editing this copy changes nothing except your own understanding.
"""

import jax, jax.numpy as jnp
import numpy as np

N_USERS = 1000000
N_ITEMS = 1000000
N_FACTORS = 32
BATCH = 16384


def setup_inputs(seed: int = 0) -> dict:
    key = jax.random.key(seed)
    k_user, k_item, k_ctx, k_ue, k_ie, k_wc, k_bc, k_wo, k_bo = jax.random.split(key, 9)
    user = jax.random.randint(k_user, (BATCH,), 0, N_USERS, dtype=jnp.int64) if jax.config.jax_enable_x64 else jax.random.randint(k_user, (BATCH,), 0, N_USERS, dtype=jnp.int32)
    item = jax.random.randint(k_item, (BATCH,), 0, N_ITEMS, dtype=jnp.int32)
    context = jax.random.uniform(k_ctx, (BATCH, 2), dtype=jnp.float32)
    # Learned parameters (match torch defaults in spirit: N(0,1) embeddings, small linear init)
    user_table = jax.random.normal(k_ue, (N_USERS, N_FACTORS), dtype=jnp.float32)
    item_table = jax.random.normal(k_ie, (N_ITEMS, N_FACTORS), dtype=jnp.float32)
    lim_c = 1.0 / np.sqrt(2.0)
    Wc = jax.random.uniform(k_wc, (2, N_FACTORS), minval=-lim_c, maxval=lim_c, dtype=jnp.float32)
    bc = jax.random.uniform(k_bc, (N_FACTORS,), minval=-lim_c, maxval=lim_c, dtype=jnp.float32)
    lim_o = 1.0 / np.sqrt(N_FACTORS)
    Wo = jax.random.uniform(k_wo, (N_FACTORS, 1), minval=-lim_o, maxval=lim_o, dtype=jnp.float32)
    bo = jax.random.uniform(k_bo, (1,), minval=-lim_o, maxval=lim_o, dtype=jnp.float32)
    return {
        "user": user,
        "item": item,
        "context": context,
        "user_table": user_table,
        "item_table": item_table,
        "Wc": Wc,
        "bc": bc,
        "Wo": Wo,
        "bo": bo,
    }


def reference(user, item, context, user_table, item_table, Wc, bc, Wo, bo):
    u = jnp.take(user_table, user, axis=0)          # embedding lookup [B, F]
    v = jnp.take(item_table, item, axis=0)          # embedding lookup [B, F]
    x = u * v                                        # elementwise interaction
    c = context @ Wc + bc                            # context linear [B, F]
    x = x + c
    out = x @ Wo + bo                                # output linear [B, 1]
    return jnp.squeeze(out, axis=-1)                 # [B]

if __name__ == "__main__":
    import jax
    _d = setup_inputs()
    print(jax.jit(kernel)(*tuple(_d.values())))

</pallas_src>

<mosaic_0001>
#map = affine_map<(d0, d1) -> (0, 0, 0)>
#map1 = affine_map<(d0, d1) -> (0)>
#map2 = affine_map<(d0, d1) -> (0, 0)>
module attributes {stable_mosaic.version = 14 : i64} {
  func.func @_sc_fused(%arg0: i32, %arg1: i32, %arg2: memref<32x4x128xi32, #tpu.memory_space<hbm>>, %arg3: memref<32x4x128xi32, #tpu.memory_space<hbm>>, %arg4: memref<2x32x512xf32, #tpu.memory_space<hbm>>, %arg5: memref<560xf32, #tpu.memory_space<hbm>>, %arg6: memref<1000000x32xf32, #tpu.memory_space<hbm>>, %arg7: memref<1000000x32xf32, #tpu.memory_space<hbm>>, %arg8: memref<16384xf32, #tpu.memory_space<hbm>>) attributes {dimension_semantics = [#tpu.dimension_semantics<core_parallel>, #tpu.dimension_semantics<subcore_parallel>], iteration_bounds = array<i64: 2, 16>, scalar_prefetch = 0 : i64, scratch_operands = 0 : i64, tpu.core_type = #tpu.core_type<sc_vector_subcore>, window_params = [{transform_indices = #map}, {transform_indices = #map}, {transform_indices = #map}, {transform_indices = #map1}, {transform_indices = #map2}, {transform_indices = #map2}, {transform_indices = #map1}]} {
    %mul3A = arith.constant 2 : i32
    %mul3A_0 = arith.muli %arg1, %mul3A : i32
    %add3A = arith.addi %mul3A_0, %arg0 : i32
    "tpu.region"() ({
      %run_scoped3A = memref.alloca() : memref<4x128xi32, #tpu.memory_space<vmem>>
      %run_scoped3A_1 = memref.alloca() : memref<4x128xi32, #tpu.memory_space<vmem>>
      %run_scoped3A_2 = memref.alloca() : memref<512x32xf32, #tpu.memory_space<vmem>>
      %run_scoped3A_3 = memref.alloca() : memref<512x32xf32, #tpu.memory_space<vmem>>
      %run_scoped3A_4 = memref.alloca() : memref<2x512xf32, #tpu.memory_space<vmem>>
      %run_scoped3A_5 = memref.alloca() : memref<560xf32, #tpu.memory_space<vmem>>
      %run_scoped3A_6 = memref.alloca() : memref<512xf32, #tpu.memory_space<vmem>>
      %run_scoped3A_7 = tpu.sem_alloc : memref<!tpu.dma_semaphore, #tpu.memory_space<semaphore_mem>>
      "tpu.region"() ({
        %run_scoped3A_182 = tpu.sem_alloc : memref<!tpu.dma_semaphore, #tpu.memory_space<semaphore_mem>>
        %dma_start3A_183 = arith.constant 0 : i32
        %dma_start3A_184 = arith.constant 0 : i32
        %dma_start3A_185 = tpu.memref_slice %arg2[%add3A, %dma_start3A_183, %dma_start3A_184] : memref<32x4x128xi32, #tpu.memory_space<hbm>> -> memref<1x4x128xi32, #tpu.memory_space<hbm>>
        %dma_start3A_186 = tpu.memref_squeeze %dma_start3A_185 : memref<1x4x128xi32, #tpu.memory_space<hbm>> -> memref<4x128xi32, #tpu.memory_space<hbm>>
        %dma_start3A_187 = arith.constant 0 : i32
        %dma_start3A_188 = arith.constant 0 : i32
        %dma_start3A_189 = tpu.memref_slice %arg2[%add3A, %dma_start3A_187, %dma_start3A_188] : memref<32x4x128xi32, #tpu.memory_space<hbm>> -> memref<1x4x128xi32, #tpu.memory_space<hbm>>
        %dma_start3A_190 = tpu.memref_squeeze %dma_start3A_189 : memref<1x4x128xi32, #tpu.memory_space<hbm>> -> memref<4x128xi32, #tpu.memory_space<hbm>>
        tpu.enqueue_dma source(%dma_start3A_190 : memref<4x128xi32, #tpu.memory_space<hbm>>) target(%run_scoped3A : memref<4x128xi32, #tpu.memory_space<vmem>>) target_semaphore(%run_scoped3A_182 : memref<!tpu.dma_semaphore, #tpu.memory_space<semaphore_mem>>)
        %dma_wait3A_191 = arith.constant 0 : i32
        %dma_wait3A_192 = arith.constant 0 : i32
        %dma_wait3A_193 = tpu.memref_slice %arg2[%add3A, %dma_wait3A_191, %dma_wait3A_192] : memref<32x4x128xi32, #tpu.memory_space<hbm>> -> memref<1x4x128xi32, #tpu.memory_space<hbm>>
        %dma_wait3A_194 = tpu.memref_squeeze %dma_wait3A_193 : memref<1x4x128xi32, #tpu.memory_space<hbm>> -> memref<4x128xi32, #tpu.memory_space<hbm>>
        %dma_wait3A_195 = arith.constant 0 : i32
        %dma_wait3A_196 = arith.constant 0 : i32
        %dma_wait3A_197 = tpu.memref_slice %arg2[%add3A, %dma_wait3A_195, %dma_wait3A_196] : memref<32x4x128xi32, #tpu.memory_space<hbm>> -> memref<1x4x128xi32, #tpu.memory_space<hbm>>
        %dma_wait3A_198 = tpu.memref_squeeze %dma_wait3A_197 : memref<1x4x128xi32, #tpu.memory_space<hbm>> -> memref<4x128xi32, #tpu.memory_space<hbm>>
        tpu.wait_dma2 semaphore(%run_scoped3A_182 : memref<!tpu.dma_semaphore, #tpu.memory_space<semaphore_mem>>) src(%dma_wait3A_198 : memref<4x128xi32, #tpu.memory_space<hbm>>) dst(%run_scoped3A : memref<4x128xi32, #tpu.memory_space<vmem>>)
        tpu.yield
      }) : () -> ()
      "tpu.region"() ({
        %run_scoped3A_182 = tpu.sem_alloc : memref<!tpu.dma_semaphore, #tpu.memory_space<semaphore_mem>>
        %dma_start3A_183 = arith.constant 0 : i32
        %dma_start3A_184 = arith.constant 0 : i32
        %dma_start3A_185 = tpu.memref_slice %arg3[%add3A, %dma_start3A_183, %dma_start3A_184] : memref<32x4x128xi32, #tpu.memory_space<hbm>> -> memref<1x4x128xi32, #tpu.memory_space<hbm>>
        %dma_start3A_186 = tpu.memref_squeeze %dma_start3A_185 : memref<1x4x128xi32, #tpu.memory_space<hbm>> -> memref<4x128xi32, #tpu.memory_space<hbm>>
        %dma_start3A_187 = arith.constant 0 : i32
        %dma_start3A_188 = arith.constant 0 : i32
        %dma_start3A_189 = tpu.memref_slice %arg3[%add3A, %dma_start3A_187, %dma_start3A_188] : memref<32x4x128xi32, #tpu.memory_space<hbm>> -> memref<1x4x128xi32, #tpu.memory_space<hbm>>
        %dma_start3A_190 = tpu.memref_squeeze %dma_start3A_189 : memref<1x4x128xi32, #tpu.memory_space<hbm>> -> memref<4x128xi32, #tpu.memory_space<hbm>>
        tpu.enqueue_dma source(%dma_start3A_190 : memref<4x128xi32, #tpu.memory_space<hbm>>) target(%run_scoped3A_1 : memref<4x128xi32, #tpu.memory_space<vmem>>) target_semaphore(%run_scoped3A_182 : memref<!tpu.dma_semaphore, #tpu.memory_space<semaphore_mem>>)
        %dma_wait3A_191 = arith.constant 0 : i32
        %dma_wait3A_192 = arith.constant 0 : i32
        %dma_wait3A_193 = tpu.memref_slice %arg3[%add3A, %dma_wait3A_191, %dma_wait3A_192] : memref<32x4x128xi32, #tpu.memory_space<hbm>> -> memref<1x4x128xi32, #tpu.memory_space<hbm>>
        %dma_wait3A_194 = tpu.memref_squeeze %dma_wait3A_193 : memref<1x4x128xi32, #tpu.memory_space<hbm>> -> memref<4x128xi32, #tpu.memory_space<hbm>>
        %dma_wait3A_195 = arith.constant 0 : i32
        %dma_wait3A_196 = arith.constant 0 : i32
        %dma_wait3A_197 = tpu.memref_slice %arg3[%add3A, %dma_wait3A_195, %dma_wait3A_196] : memref<32x4x128xi32, #tpu.memory_space<hbm>> -> memref<1x4x128xi32, #tpu.memory_space<hbm>>
        %dma_wait3A_198 = tpu.memref_squeeze %dma_wait3A_197 : memref<1x4x128xi32, #tpu.memory_space<hbm>> -> memref<4x128xi32, #tpu.memory_space<hbm>>
        tpu.wait_dma2 semaphore(%run_scoped3A_182 : memref<!tpu.dma_semaphore, #tpu.memory_space<semaphore_mem>>) src(%dma_wait3A_198 : memref<4x128xi32, #tpu.memory_space<hbm>>) dst(%run_scoped3A_1 : memref<4x128xi32, #tpu.memory_space<vmem>>)
        tpu.yield
      }) : () -> ()
      %run_scoped3A_8 = arith.constant 0 : i32
      %run_scoped3A_9 = arith.constant 0 : i32
      "tpu.region"() ({
        %run_scoped3A_182 = tpu.sem_alloc : memref<!tpu.dma_semaphore, #tpu.memory_space<semaphore_mem>>
        %dma_start3A_183 = arith.constant 0 : i32
        %dma_start3A_184 = tpu.memref_slice %run_scoped3A_4[%run_scoped3A_9, %dma_start3A_183] : memref<2x512xf32, #tpu.memory_space<vmem>> -> memref<1x512xf32, #tpu.memory_space<vmem>>
        %dma_start3A_185 = tpu.memref_squeeze %dma_start3A_184 : memref<1x512xf32, #tpu.memory_space<vmem>> -> memref<512xf32, #tpu.memory_space<vmem>>
        %dma_start3A_186 = arith.constant 0 : i32
        %dma_start3A_187 = tpu.memref_slice %arg4[%run_scoped3A_8, %add3A, %dma_start3A_186] : memref<2x32x512xf32, #tpu.memory_space<hbm>> -> memref<1x1x512xf32, #tpu.memory_space<hbm>>
        %dma_start3A_188 = tpu.memref_squeeze %dma_start3A_187 : memref<1x1x512xf32, #tpu.memory_space<hbm>> -> memref<512xf32, #tpu.memory_space<hbm>>
        %dma_start3A_189 = arith.constant 0 : i32
        %dma_start3A_190 = tpu.memref_slice %run_scoped3A_4[%run_scoped3A_9, %dma_start3A_189] : memref<2x512xf32, #tpu.memory_space<vmem>> -> memref<1x512xf32, #tpu.memory_space<vmem>>
        %dma_start3A_191 = tpu.memref_squeeze %dma_start3A_190 : memref<1x512xf32, #tpu.memory_space<vmem>> -> memref<512xf32, #tpu.memory_space<vmem>>
        %dma_start3A_192 = arith.constant 0 : i32
        %dma_start3A_193 = tpu.memref_slice %arg4[%run_scoped3A_8, %add3A, %dma_start3A_192] : memref<2x32x512xf32, #tpu.memory_space<hbm>> -> memref<1x1x512xf32, #tpu.memory_space<hbm>>
        %dma_start3A_194 = tpu.memref_squeeze %dma_start3A_193 : memref<1x1x512xf32, #tpu.memory_space<hbm>> -> memref<512xf32, #tpu.memory_space<hbm>>
        tpu.enqueue_dma source(%dma_start3A_194 : memref<512xf32, #tpu.memory_space<hbm>>) target(%dma_start3A_191 : memref<512xf32, #tpu.memory_space<vmem>>) target_semaphore(%run_scoped3A_182 : memref<!tpu.dma_semaphore, #tpu.memory_space<semaphore_mem>>)
        %dma_wait3A_195 = arith.constant 0 : i32
        %dma_wait3A_196 = tpu.memref_slice %run_scoped3A_4[%run_scoped3A_9, %dma_wait3A_195] : memref<2x512xf32, #tpu.memory_space<vmem>> -> memref<1x512xf32, #tpu.memory_space<vmem>>
        %dma_wait3A_197 = tpu.memref_squeeze %dma_wait3A_196 : memref<1x512xf32, #tpu.memory_space<vmem>> -> memref<512xf32, #tpu.memory_space<vmem>>
        %dma_wait3A_198 = arith.constant 0 : i32
        %dma_wait3A_199 = tpu.memref_slice %arg4[%run_scoped3A_8, %add3A, %dma_wait3A_198] : memref<2x32x512xf32, #tpu.memory_space<hbm>> -> memref<1x1x512xf32, #tpu.memory_space<hbm>>
        %dma_wait3A_200 = tpu.memref_squeeze %dma_wait3A_199 : memref<1x1x512xf32, #tpu.memory_space<hbm>> -> memref<512xf32, #tpu.memory_space<hbm>>
        %dma_wait3A_201 = arith.constant 0 : i32
        %dma_wait3A_202 = tpu.memref_slice %run_scoped3A_4[%run_scoped3A_9, %dma_wait3A_201] : memref<2x512xf32, #tpu.memory_space<vmem>> -> memref<1x512xf32, #tpu.memory_space<vmem>>
        %dma_wait3A_203 = tpu.memref_squeeze %dma_wait3A_202 : memref<1x512xf32, #tpu.memory_space<vmem>> -> memref<512xf32, #tpu.memory_space<vmem>>
        %dma_wait3A_204 = arith.constant 0 : i32
        %dma_wait3A_205 = tpu.memref_slice %arg4[%run_scoped3A_8, %add3A, %dma_wait3A_204] : memref<2x32x512xf32, #tpu.memory_space<hbm>> -> memref<1x1x512xf32, #tpu.memory_space<hbm>>
        %dma_wait3A_206 = tpu.memref_squeeze %dma_wait3A_205 : memref<1x1x512xf32, #tpu.memory_space<hbm>> -> memref<512xf32, #tpu.memory_space<hbm>>
        tpu.wait_dma2 semaphore(%run_scoped3A_182 : memref<!tpu.dma_semaphore, #tpu.memory_space<semaphore_mem>>) src(%dma_wait3A_206 : memref<512xf32, #tpu.memory_space<hbm>>) dst(%dma_wait3A_203 : memref<512xf32, #tpu.memory_space<vmem>>)
        tpu.yield
      }) : () -> ()
      %run_scoped3A_10 = arith.constant 1 : i32
      %run_scoped3A_11 = arith.constant 1 : i32
      "tpu.region"() ({
        %run_scoped3A_182 = tpu.sem_alloc : memref<!tpu.dma_semaphore, #tpu.memory_space<semaphore_mem>>
        %dma_start3A_183 = arith.constant 0 : i32
        %dma_start3A_184 = tpu.memref_slice %run_scoped3A_4[%run_scoped3A_11, %dma_start3A_183] : memref<2x512xf32, #tpu.memory_space<vmem>> -> memref<1x512xf32, #tpu.memory_space<vmem>>
        %dma_start3A_185 = tpu.memref_squeeze %dma_start3A_184 : memref<1x512xf32, #tpu.memory_space<vmem>> -> memref<512xf32, #tpu.memory_space<vmem>>
        %dma_start3A_186 = arith.constant 0 : i32
        %dma_start3A_187 = tpu.memref_slice %arg4[%run_scoped3A_10, %add3A, %dma_start3A_186] : memref<2x32x512xf32, #tpu.memory_space<hbm>> -> memref<1x1x512xf32, #tpu.memory_space<hbm>>
        %dma_start3A_188 = tpu.memref_squeeze %dma_start3A_187 : memref<1x1x512xf32, #tpu.memory_space<hbm>> -> memref<512xf32, #tpu.memory_space<hbm>>
        %dma_start3A_189 = arith.constant 0 : i32
        %dma_start3A_190 = tpu.memref_slice %run_scoped3A_4[%run_scoped3A_11, %dma_start3A_189] : memref<2x512xf32, #tpu.memory_space<vmem>> -> memref<1x512xf32, #tpu.memory_space<vmem>>
        %dma_start3A_191 = tpu.memref_squeeze %dma_start3A_190 : memref<1x512xf32, #tpu.memory_space<vmem>> -> memref<512xf32, #tpu.memory_space<vmem>>
        %dma_start3A_192 = arith.constant 0 : i32
        %dma_start3A_193 = tpu.memref_slice %arg4[%run_scoped3A_10, %add3A, %dma_start3A_192] : memref<2x32x512xf32, #tpu.memory_space<hbm>> -> memref<1x1x512xf32, #tpu.memory_space<hbm>>
        %dma_start3A_194 = tpu.memref_squeeze %dma_start3A_193 : memref<1x1x512xf32, #tpu.memory_space<hbm>> -> memref<512xf32, #tpu.memory_space<hbm>>
        tpu.enqueue_dma source(%dma_start3A_194 : memref<512xf32, #tpu.memory_space<hbm>>) target(%dma_start3A_191 : memref<512xf32, #tpu.memory_space<vmem>>) target_semaphore(%run_scoped3A_182 : memref<!tpu.dma_semaphore, #tpu.memory_space<semaphore_mem>>)
        %dma_wait3A_195 = arith.constant 0 : i32
        %dma_wait3A_196 = tpu.memref_slice %run_scoped3A_4[%run_scoped3A_11, %dma_wait3A_195] : memref<2x512xf32, #tpu.memory_space<vmem>> -> memref<1x512xf32, #tpu.memory_space<vmem>>
        %dma_wait3A_197 = tpu.memref_squeeze %dma_wait3A_196 : memref<1x512xf32, #tpu.memory_space<vmem>> -> memref<512xf32, #tpu.memory_space<vmem>>
        %dma_wait3A_198 = arith.constant 0 : i32
        %dma_wait3A_199 = tpu.memref_slice %arg4[%run_scoped3A_10, %add3A, %dma_wait3A_198] : memref<2x32x512xf32, #tpu.memory_space<hbm>> -> memref<1x1x512xf32, #tpu.memory_space<hbm>>
        %dma_wait3A_200 = tpu.memref_squeeze %dma_wait3A_199 : memref<1x1x512xf32, #tpu.memory_space<hbm>> -> memref<512xf32, #tpu.memory_space<hbm>>
        %dma_wait3A_201 = arith.constant 0 : i32
        %dma_wait3A_202 = tpu.memref_slice %run_scoped3A_4[%run_scoped3A_11, %dma_wait3A_201] : memref<2x512xf32, #tpu.memory_space<vmem>> -> memref<1x512xf32, #tpu.memory_space<vmem>>
        %dma_wait3A_203 = tpu.memref_squeeze %dma_wait3A_202 : memref<1x512xf32, #tpu.memory_space<vmem>> -> memref<512xf32, #tpu.memory_space<vmem>>
        %dma_wait3A_204 = arith.constant 0 : i32
        %dma_wait3A_205 = tpu.memref_slice %arg4[%run_scoped3A_10, %add3A, %dma_wait3A_204] : memref<2x32x512xf32, #tpu.memory_space<hbm>> -> memref<1x1x512xf32, #tpu.memory_space<hbm>>
        %dma_wait3A_206 = tpu.memref_squeeze %dma_wait3A_205 : memref<1x1x512xf32, #tpu.memory_space<hbm>> -> memref<512xf32, #tpu.memory_space<hbm>>
        tpu.wait_dma2 semaphore(%run_scoped3A_182 : memref<!tpu.dma_semaphore, #tpu.memory_space<semaphore_mem>>) src(%dma_wait3A_206 : memref<512xf32, #tpu.memory_space<hbm>>) dst(%dma_wait3A_203 : memref<512xf32, #tpu.memory_space<vmem>>)
        tpu.yield
      }) : () -> ()
      "tpu.region"() ({
        %run_scoped3A_182 = tpu.sem_alloc : memref<!tpu.dma_semaphore, #tpu.memory_space<semaphore_mem>>
        tpu.enqueue_dma source(%arg5 : memref<560xf32, #tpu.memory_space<hbm>>) target(%run_scoped3A_5 : memref<560xf32, #tpu.memory_space<vmem>>) target_semaphore(%run_scoped3A_182 : memref<!tpu.dma_semaphore, #tpu.memory_space<semaphore_mem>>)
        tpu.wait_dma2 semaphore(%run_scoped3A_182 : memref<!tpu.dma_semaphore, #tpu.memory_space<semaphore_mem>>) src(%arg5 : memref<560xf32, #tpu.memory_space<hbm>>) dst(%run_scoped3A_5 : memref<560xf32, #tpu.memory_space<vmem>>)
        tpu.yield
      }) : () -> ()
      %dma_start3A = arith.constant 0 : i32
      %dma_start3A_12 = arith.constant 0 : i32
      %dma_start3A_13 = arith.constant 0 : i32
      %dma_start3A_14 = tpu.memref_slice %run_scoped3A_2[%dma_start3A_12, %dma_start3A_13] : memref<512x32xf32, #tpu.memory_space<vmem>> -> memref<128x32xf32, #tpu.memory_space<vmem>>
      %dma_start3A_15 = arith.constant 0 : i32
      %dma_start3A_16 = tpu.memref_slice %run_scoped3A[%dma_start3A, %dma_start3A_15] : memref<4x128xi32, #tpu.memory_space<vmem>> -> memref<1x128xi32, #tpu.memory_space<vmem>>
      %dma_start3A_17 = tpu.memref_squeeze %dma_start3A_16 : memref<1x128xi32, #tpu.memory_space<vmem>> -> memref<128xi32, #tpu.memory_space<vmem>>
      %dma_start3A_18 = arith.constant 0 : i32
      %dma_start3A_19 = arith.constant 0 : i32
      %dma_start3A_20 = tpu.memref_slice %arg6[%dma_start3A_18, %dma_start3A_19] : memref<1000000x32xf32, #tpu.memory_space<hbm>> -> memref<1000000x32xf32, #tpu.memory_space<hbm>>
      tpu.enqueue_indirect_dma source(%dma_start3A_20 : memref<1000000x32xf32, #tpu.memory_space<hbm>>) target(%dma_start3A_14 : memref<128x32xf32, #tpu.memory_space<vmem>>) offsets(%dma_start3A_17 : memref<128xi32, #tpu.memory_space<vmem>>) semaphore(%run_scoped3A_7 : memref<!tpu.dma_semaphore, #tpu.memory_space<semaphore_mem>>)
      %dma_start3A_21 = arith.constant 1 : i32
      %dma_start3A_22 = arith.constant 128 : i32
      %dma_start3A_23 = arith.constant 0 : i32
      %dma_start3A_24 = tpu.memref_slice %run_scoped3A_2[%dma_start3A_22, %dma_start3A_23] : memref<512x32xf32, #tpu.memory_space<vmem>> -> memref<128x32xf32, #tpu.memory_space<vmem>>
      %dma_start3A_25 = arith.constant 0 : i32
      %dma_start3A_26 = tpu.memref_slice %run_scoped3A[%dma_start3A_21, %dma_start3A_25] : memref<4x128xi32, #tpu.memory_space<vmem>> -> memref<1x128xi32, #tpu.memory_space<vmem>>
      %dma_start3A_27 = tpu.memref_squeeze %dma_start3A_26 : memref<1x128xi32, #tpu.memory_space<vmem>> -> memref<128xi32, #tpu.memory_space<vmem>>
      %dma_start3A_28 = arith.constant 0 : i32
      %dma_start3A_29 = arith.constant 0 : i32
      %dma_start3A_30 = tpu.memref_slice %arg6[%dma_start3A_28, %dma_start3A_29] : memref<1000000x32xf32, #tpu.memory_space<hbm>> -> memref<1000000x32xf32, #tpu.memory_space<hbm>>
      tpu.enqueue_indirect_dma source(%dma_start3A_30 : memref<1000000x32xf32, #tpu.memory_space<hbm>>) target(%dma_start3A_24 : memref<128x32xf32, #tpu.memory_space<vmem>>) offsets(%dma_start3A_27 : memref<128xi32, #tpu.memory_space<vmem>>) semaphore(%run_scoped3A_7 : memref<!tpu.dma_semaphore, #tpu.memory_space<semaphore_mem>>)
      %dma_start3A_31 = arith.constant 2 : i32
      %dma_start3A_32 = arith.constant 256 : i32
      %dma_start3A_33 = arith.constant 0 : i32
      %dma_start3A_34 = tpu.memref_slice %run_scoped3A_2[%dma_start3A_32, %dma_start3A_33] : memref<512x32xf32, #tpu.memory_space<vmem>> -> memref<128x32xf32, #tpu.memory_space<vmem>>
      %dma_start3A_35 = arith.constant 0 : i32
      %dma_start3A_36 = tpu.memref_slice %run_scoped3A[%dma_start3A_31, %dma_start3A_35] : memref<4x128xi32, #tpu.memory_space<vmem>> -> memref<1x128xi32, #tpu.memory_space<vmem>>
      %dma_start3A_37 = tpu.memref_squeeze %dma_start3A_36 : memref<1x128xi32, #tpu.memory_space<vmem>> -> memref<128xi32, #tpu.memory_space<vmem>>
      %dma_start3A_38 = arith.constant 0 : i32
      %dma_start3A_39 = arith.constant 0 : i32
      %dma_start3A_40 = tpu.memref_slice %arg6[%dma_start3A_38, %dma_start3A_39] : memref<1000000x32xf32, #tpu.memory_space<hbm>> -> memref<1000000x32xf32, #tpu.memory_space<hbm>>
      tpu.enqueue_indirect_dma source(%dma_start3A_40 : memref<1000000x32xf32, #tpu.memory_space<hbm>>) target(%dma_start3A_34 : memref<128x32xf32, #tpu.memory_space<vmem>>) offsets(%dma_start3A_37 : memref<128xi32, #tpu.memory_space<vmem>>) semaphore(%run_scoped3A_7 : memref<!tpu.dma_semaphore, #tpu.memory_space<semaphore_mem>>)
      %dma_start3A_41 = arith.constant 3 : i32
      %dma_start3A_42 = arith.constant 384 : i32
      %dma_start3A_43 = arith.constant 0 : i32
      %dma_start3A_44 = tpu.memref_slice %run_scoped3A_2[%dma_start3A_42, %dma_start3A_43] : memref<512x32xf32, #tpu.memory_space<vmem>> -> memref<128x32xf32, #tpu.memory_space<vmem>>
      %dma_start3A_45 = arith.constant 0 : i32
      %dma_start3A_46 = tpu.memref_slice %run_scoped3A[%dma_start3A_41, %dma_start3A_45] : memref<4x128xi32, #tpu.memory_space<vmem>> -> memref<1x128xi32, #tpu.memory_space<vmem>>
      %dma_start3A_47 = tpu.memref_squeeze %dma_start3A_46 : memref<1x128xi32, #tpu.memory_space<vmem>> -> memref<128xi32, #tpu.memory_space<vmem>>
      %dma_start3A_48 = arith.constant 0 : i32
      %dma_start3A_49 = arith.constant 0 : i32
      %dma_start3A_50 = tpu.memref_slice %arg6[%dma_start3A_48, %dma_start3A_49] : memref<1000000x32xf32, #tpu.memory_space<hbm>> -> memref<1000000x32xf32, #tpu.memory_space<hbm>>
      tpu.enqueue_indirect_dma source(%dma_start3A_50 : memref<1000000x32xf32, #tpu.memory_space<hbm>>) target(%dma_start3A_44 : memref<128x32xf32, #tpu.memory_space<vmem>>) offsets(%dma_start3A_47 : memref<128xi32, #tpu.memory_space<vmem>>) semaphore(%run_scoped3A_7 : memref<!tpu.dma_semaphore, #tpu.memory_space<semaphore_mem>>)
      %dma_start3A_51 = arith.constant 0 : i32
      %dma_start3A_52 = arith.constant 0 : i32
      %dma_start3A_53 = arith.constant 0 : i32
      %dma_start3A_54 = tpu.memref_slice %run_scoped3A_3[%dma_start3A_52, %dma_start3A_53] : memref<512x32xf32, #tpu.memory_space<vmem>> -> memref<128x32xf32, #tpu.memory_space<vmem>>
      %dma_start3A_55 = arith.constant 0 : i32
      %dma_start3A_56 = tpu.memref_slice %run_scoped3A_1[%dma_start3A_51, %dma_start3A_55] : memref<4x128xi32, #tpu.memory_space<vmem>> -> memref<1x128xi32, #tpu.memory_space<vmem>>
      %dma_start3A_57 = tpu.memref_squeeze %dma_start3A_56 : memref<1x128xi32, #tpu.memory_space<vmem>> -> memref<128xi32, #tpu.memory_space<vmem>>
      %dma_start3A_58 = arith.constant 0 : i32
      %dma_start3A_59 = arith.constant 0 : i32
      %dma_start3A_60 = tpu.memref_slice %arg7[%dma_start3A_58, %dma_start3A_59] : memref<1000000x32xf32, #tpu.memory_space<hbm>> -> memref<1000000x32xf32, #tpu.memory_space<hbm>>
      tpu.enqueue_indirect_dma source(%dma_start3A_60 : memref<1000000x32xf32, #tpu.memory_space<hbm>>) target(%dma_start3A_54 : memref<128x32xf32, #tpu.memory_space<vmem>>) offsets(%dma_start3A_57 : memref<128xi32, #tpu.memory_space<vmem>>) semaphore(%run_scoped3A_7 : memref<!tpu.dma_semaphore, #tpu.memory_space<semaphore_mem>>)
      %dma_start3A_61 = arith.constant 1 : i32
      %dma_start3A_62 = arith.constant 128 : i32
      %dma_start3A_63 = arith.constant 0 : i32
      %dma_start3A_64 = tpu.memref_slice %run_scoped3A_3[%dma_start3A_62, %dma_start3A_63] : memref<512x32xf32, #tpu.memory_space<vmem>> -> memref<128x32xf32, #tpu.memory_space<vmem>>
      %dma_start3A_65 = arith.constant 0 : i32
      %dma_start3A_66 = tpu.memref_slice %run_scoped3A_1[%dma_start3A_61, %dma_start3A_65] : memref<4x128xi32, #tpu.memory_space<vmem>> -> memref<1x128xi32, #tpu.memory_space<vmem>>
      %dma_start3A_67 = tpu.memref_squeeze %dma_start3A_66 : memref<1x128xi32, #tpu.memory_space<vmem>> -> memref<128xi32, #tpu.memory_space<vmem>>
      %dma_start3A_68 = arith.constant 0 : i32
      %dma_start3A_69 = arith.constant 0 : i32
      %dma_start3A_70 = tpu.memref_slice %arg7[%dma_start3A_68, %dma_start3A_69] : memref<1000000x32xf32, #tpu.memory_space<hbm>> -> memref<1000000x32xf32, #tpu.memory_space<hbm>>
      tpu.enqueue_indirect_dma source(%dma_start3A_70 : memref<1000000x32xf32, #tpu.memory_space<hbm>>) target(%dma_start3A_64 : memref<128x32xf32, #tpu.memory_space<vmem>>) offsets(%dma_start3A_67 : memref<128xi32, #tpu.memory_space<vmem>>) semaphore(%run_scoped3A_7 : memref<!tpu.dma_semaphore, #tpu.memory_space<semaphore_mem>>)
      %dma_start3A_71 = arith.constant 2 : i32
      %dma_start3A_72 = arith.constant 256 : i32
      %dma_start3A_73 = arith.constant 0 : i32
      %dma_start3A_74 = tpu.memref_slice %run_scoped3A_3[%dma_start3A_72, %dma_start3A_73] : memref<512x32xf32, #tpu.memory_space<vmem>> -> memref<128x32xf32, #tpu.memory_space<vmem>>
      %dma_start3A_75 = arith.constant 0 : i32
      %dma_start3A_76 = tpu.memref_slice %run_scoped3A_1[%dma_start3A_71, %dma_start3A_75] : memref<4x128xi32, #tpu.memory_space<vmem>> -> memref<1x128xi32, #tpu.memory_space<vmem>>
      %dma_start3A_77 = tpu.memref_squeeze %dma_start3A_76 : memref<1x128xi32, #tpu.memory_space<vmem>> -> memref<128xi32, #tpu.memory_space<vmem>>
      %dma_start3A_78 = arith.constant 0 : i32
      %dma_start3A_79 = arith.constant 0 : i32
      %dma_start3A_80 = tpu.memref_slice %arg7[%dma_start3A_78, %dma_start3A_79] : memref<1000000x32xf32, #tpu.memory_space<hbm>> -> memref<1000000x32xf32, #tpu.memory_space<hbm>>
      tpu.enqueue_indirect_dma source(%dma_start3A_80 : memref<1000000x32xf32, #tpu.memory_space<hbm>>) target(%dma_start3A_74 : memref<128x32xf32, #tpu.memory_space<vmem>>) offsets(%dma_start3A_77 : memref<128xi32, #tpu.memory_space<vmem>>) semaphore(%run_scoped3A_7 : memref<!tpu.dma_semaphore, #tpu.memory_space<semaphore_mem>>)
      %dma_start3A_81 = arith.constant 3 : i32
      %dma_start3A_82 = arith.constant 384 : i32
      %dma_start3A_83 = arith.constant 0 : i32
      %dma_start3A_84 = tpu.memref_slice %run_scoped3A_3[%dma_start3A_82, %dma_start3A_83] : memref<512x32xf32, #tpu.memory_space<vmem>> -> memref<128x32xf32, #tpu.memory_space<vmem>>
      %dma_start3A_85 = arith.constant 0 : i32
      %dma_start3A_86 = tpu.memref_slice %run_scoped3A_1[%dma_start3A_81, %dma_start3A_85] : memref<4x128xi32, #tpu.memory_space<vmem>> -> memref<1x128xi32, #tpu.memory_space<vmem>>
      %dma_start3A_87 = tpu.memref_squeeze %dma_start3A_86 : memref<1x128xi32, #tpu.memory_space<vmem>> -> memref<128xi32, #tpu.memory_space<vmem>>
      %dma_start3A_88 = arith.constant 0 : i32
      %dma_start3A_89 = arith.constant 0 : i32
      %dma_start3A_90 = tpu.memref_slice %arg7[%dma_start3A_88, %dma_start3A_89] : memref<1000000x32xf32, #tpu.memory_space<hbm>> -> memref<1000000x32xf32, #tpu.memory_space<hbm>>
      tpu.enqueue_indirect_dma source(%dma_start3A_90 : memref<1000000x32xf32, #tpu.memory_space<hbm>>) target(%dma_start3A_84 : memref<128x32xf32, #tpu.memory_space<vmem>>) offsets(%dma_start3A_87 : memref<128xi32, #tpu.memory_space<vmem>>) semaphore(%run_scoped3A_7 : memref<!tpu.dma_semaphore, #tpu.memory_space<semaphore_mem>>)
      %dma_wait3A = arith.constant 0 : i32
      %dma_wait3A_91 = arith.constant 0 : i32
      %dma_wait3A_92 = arith.constant 0 : i32
      %dma_wait3A_93 = tpu.memref_slice %run_scoped3A_2[%dma_wait3A_91, %dma_wait3A_92] : memref<512x32xf32, #tpu.memory_space<vmem>> -> memref<128x32xf32, #tpu.memory_space<vmem>>
      %dma_wait3A_94 = arith.constant 0 : i32
      %dma_wait3A_95 = tpu.memref_slice %run_scoped3A[%dma_wait3A, %dma_wait3A_94] : memref<4x128xi32, #tpu.memory_space<vmem>> -> memref<1x128xi32, #tpu.memory_space<vmem>>
      %dma_wait3A_96 = tpu.memref_squeeze %dma_wait3A_95 : memref<1x128xi32, #tpu.memory_space<vmem>> -> memref<128xi32, #tpu.memory_space<vmem>>
      %dma_wait3A_97 = arith.constant 0 : i32
      %dma_wait3A_98 = arith.constant 0 : i32
      %dma_wait3A_99 = tpu.memref_slice %arg6[%dma_wait3A_97, %dma_wait3A_98] : memref<1000000x32xf32, #tpu.memory_space<hbm>> -> memref<1000000x32xf32, #tpu.memory_space<hbm>>
      tpu.wait_indirect_dma semaphore(%run_scoped3A_7 : memref<!tpu.dma_semaphore, #tpu.memory_space<semaphore_mem>>) src(%dma_wait3A_99 : memref<1000000x32xf32, #tpu.memory_space<hbm>>) dst(%dma_wait3A_93 : memref<128x32xf32, #tpu.memory_space<vmem>>)
      %dma_wait3A_100 = arith.constant 1 : i32
      %dma_wait3A_101 = arith.constant 128 : i32
      %dma_wait3A_102 = arith.constant 0 : i32
      %dma_wait3A_103 = tpu.memref_slice %run_scoped3A_2[%dma_wait3A_101, %dma_wait3A_102] : memref<512x32xf32, #tpu.memory_space<vmem>> -> memref<128x32xf32, #tpu.memory_space<vmem>>
      %dma_wait3A_104 = arith.constant 0 : i32
      %dma_wait3A_105 = tpu.memref_slice %run_scoped3A[%dma_wait3A_100, %dma_wait3A_104] : memref<4x128xi32, #tpu.memory_space<vmem>> -> memref<1x128xi32, #tpu.memory_space<vmem>>
      %dma_wait3A_106 = tpu.memref_squeeze %dma_wait3A_105 : memref<1x128xi32, #tpu.memory_space<vmem>> -> memref<128xi32, #tpu.memory_space<vmem>>
      %dma_wait3A_107 = arith.constant 0 : i32
      %dma_wait3A_108 = arith.constant 0 : i32
      %dma_wait3A_109 = tpu.memref_slice %arg6[%dma_wait3A_107, %dma_wait3A_108] : memref<1000000x32xf32, #tpu.memory_space<hbm>> -> memref<1000000x32xf32, #tpu.memory_space<hbm>>
      tpu.wait_indirect_dma semaphore(%run_scoped3A_7 : memref<!tpu.dma_semaphore, #tpu.memory_space<semaphore_mem>>) src(%dma_wait3A_109 : memref<1000000x32xf32, #tpu.memory_space<hbm>>) dst(%dma_wait3A_103 : memref<128x32xf32, #tpu.memory_space<vmem>>)
      %dma_wait3A_110 = arith.constant 2 : i32
      %dma_wait3A_111 = arith.constant 256 : i32
      %dma_wait3A_112 = arith.constant 0 : i32
      %dma_wait3A_113 = tpu.memref_slice %run_scoped3A_2[%dma_wait3A_111, %dma_wait3A_112] : memref<512x32xf32, #tpu.memory_space<vmem>> -> memref<128x32xf32, #tpu.memory_space<vmem>>
      %dma_wait3A_114 = arith.constant 0 : i32
      %dma_wait3A_115 = tpu.memref_slice %run_scoped3A[%dma_wait3A_110, %dma_wait3A_114] : memref<4x128xi32, #tpu.memory_space<vmem>> -> memref<1x128xi32, #tpu.memory_space<vmem>>
      %dma_wait3A_116 = tpu.memref_squeeze %dma_wait3A_115 : memref<1x128xi32, #tpu.memory_space<vmem>> -> memref<128xi32, #tpu.memory_space<vmem>>
      %dma_wait3A_117 = arith.constant 0 : i32
      %dma_wait3A_118 = arith.constant 0 : i32
      %dma_wait3A_119 = tpu.memref_slice %arg6[%dma_wait3A_117, %dma_wait3A_118] : memref<1000000x32xf32, #tpu.memory_space<hbm>> -> memref<1000000x32xf32, #tpu.memory_space<hbm>>
      tpu.wait_indirect_dma semaphore(%run_scoped3A_7 : memref<!tpu.dma_semaphore, #tpu.memory_space<semaphore_mem>>) src(%dma_wait3A_119 : memref<1000000x32xf32, #tpu.memory_space<hbm>>) dst(%dma_wait3A_113 : memref<128x32xf32, #tpu.memory_space<vmem>>)
      %dma_wait3A_120 = arith.constant 3 : i32
      %dma_wait3A_121 = arith.constant 384 : i32
      %dma_wait3A_122 = arith.constant 0 : i32
      %dma_wait3A_123 = tpu.memref_slice %run_scoped3A_2[%dma_wait3A_121, %dma_wait3A_122] : memref<512x32xf32, #tpu.memory_space<vmem>> -> memref<128x32xf32, #tpu.memory_space<vmem>>
      %dma_wait3A_124 = arith.constant 0 : i32
      %dma_wait3A_125 = tpu.memref_slice %run_scoped3A[%dma_wait3A_120, %dma_wait3A_124] : memref<4x128xi32, #tpu.memory_space<vmem>> -> memref<1x128xi32, #tpu.memory_space<vmem>>
      %dma_wait3A_126 = tpu.memref_squeeze %dma_wait3A_125 : memref<1x128xi32, #tpu.memory_space<vmem>> -> memref<128xi32, #tpu.memory_space<vmem>>
      %dma_wait3A_127 = arith.constant 0 : i32
      %dma_wait3A_128 = arith.constant 0 : i32
      %dma_wait3A_129 = tpu.memref_slice %arg6[%dma_wait3A_127, %dma_wait3A_128] : memref<1000000x32xf32, #tpu.memory_space<hbm>> -> memref<1000000x32xf32, #tpu.memory_space<hbm>>
      tpu.wait_indirect_dma semaphore(%run_scoped3A_7 : memref<!tpu.dma_semaphore, #tpu.memory_space<semaphore_mem>>) src(%dma_wait3A_129 : memref<1000000x32xf32, #tpu.memory_space<hbm>>) dst(%dma_wait3A_123 : memref<128x32xf32, #tpu.memory_space<vmem>>)
      %dma_wait3A_130 = arith.constant 0 : i32
      %dma_wait3A_131 = arith.constant 0 : i32
      %dma_wait3A_132 = arith.constant 0 : i32
      %dma_wait3A_133 = tpu.memref_slice %run_scoped3A_3[%dma_wait3A_131, %dma_wait3A_132] : memref<512x32xf32, #tpu.memory_space<vmem>> -> memref<128x32xf32, #tpu.memory_space<vmem>>
      %dma_wait3A_134 = arith.constant 0 : i32
      %dma_wait3A_135 = tpu.memref_slice %run_scoped3A_1[%dma_wait3A_130, %dma_wait3A_134] : memref<4x128xi32, #tpu.memory_space<vmem>> -> memref<1x128xi32, #tpu.memory_space<vmem>>
      %dma_wait3A_136 = tpu.memref_squeeze %dma_wait3A_135 : memref<1x128xi32, #tpu.memory_space<vmem>> -> memref<128xi32, #tpu.memory_space<vmem>>
      %dma_wait3A_137 = arith.constant 0 : i32
      %dma_wait3A_138 = arith.constant 0 : i32
      %dma_wait3A_139 = tpu.memref_slice %arg7[%dma_wait3A_137, %dma_wait3A_138] : memref<1000000x32xf32, #tpu.memory_space<hbm>> -> memref<1000000x32xf32, #tpu.memory_space<hbm>>
      tpu.wait_indirect_dma semaphore(%run_scoped3A_7 : memref<!tpu.dma_semaphore, #tpu.memory_space<semaphore_mem>>) src(%dma_wait3A_139 : memref<1000000x32xf32, #tpu.memory_space<hbm>>) dst(%dma_wait3A_133 : memref<128x32xf32, #tpu.memory_space<vmem>>)
      %dma_wait3A_140 = arith.constant 1 : i32
      %dma_wait3A_141 = arith.constant 128 : i32
      %dma_wait3A_142 = arith.constant 0 : i32
      %dma_wait3A_143 = tpu.memref_slice %run_scoped3A_3[%dma_wait3A_141, %dma_wait3A_142] : memref<512x32xf32, #tpu.memory_space<vmem>> -> memref<128x32xf32, #tpu.memory_space<vmem>>
      %dma_wait3A_144 = arith.constant 0 : i32
      %dma_wait3A_145 = tpu.memref_slice %run_scoped3A_1[%dma_wait3A_140, %dma_wait3A_144] : memref<4x128xi32, #tpu.memory_space<vmem>> -> memref<1x128xi32, #tpu.memory_space<vmem>>
      %dma_wait3A_146 = tpu.memref_squeeze %dma_wait3A_145 : memref<1x128xi32, #tpu.memory_space<vmem>> -> memref<128xi32, #tpu.memory_space<vmem>>
      %dma_wait3A_147 = arith.constant 0 : i32
      %dma_wait3A_148 = arith.constant 0 : i32
      %dma_wait3A_149 = tpu.memref_slice %arg7[%dma_wait3A_147, %dma_wait3A_148] : memref<1000000x32xf32, #tpu.memory_space<hbm>> -> memref<1000000x32xf32, #tpu.memory_space<hbm>>
      tpu.wait_indirect_dma semaphore(%run_scoped3A_7 : memref<!tpu.dma_semaphore, #tpu.memory_space<semaphore_mem>>) src(%dma_wait3A_149 : memref<1000000x32xf32, #tpu.memory_space<hbm>>) dst(%dma_wait3A_143 : memref<128x32xf32, #tpu.memory_space<vmem>>)
      %dma_wait3A_150 = arith.constant 2 : i32
      %dma_wait3A_151 = arith.constant 256 : i32
      %dma_wait3A_152 = arith.constant 0 : i32
      %dma_wait3A_153 = tpu.memref_slice %run_scoped3A_3[%dma_wait3A_151, %dma_wait3A_152] : memref<512x32xf32, #tpu.memory_space<vmem>> -> memref<128x32xf32, #tpu.memory_space<vmem>>
      %dma_wait3A_154 = arith.constant 0 : i32
      %dma_wait3A_155 = tpu.memref_slice %run_scoped3A_1[%dma_wait3A_150, %dma_wait3A_154] : memref<4x128xi32, #tpu.memory_space<vmem>> -> memref<1x128xi32, #tpu.memory_space<vmem>>
      %dma_wait3A_156 = tpu.memref_squeeze %dma_wait3A_155 : memref<1x128xi32, #tpu.memory_space<vmem>> -> memref<128xi32, #tpu.memory_space<vmem>>
      %dma_wait3A_157 = arith.constant 0 : i32
      %dma_wait3A_158 = arith.constant 0 : i32
      %dma_wait3A_159 = tpu.memref_slice %arg7[%dma_wait3A_157, %dma_wait3A_158] : memref<1000000x32xf32, #tpu.memory_space<hbm>> -> memref<1000000x32xf32, #tpu.memory_space<hbm>>
      tpu.wait_indirect_dma semaphore(%run_scoped3A_7 : memref<!tpu.dma_semaphore, #tpu.memory_space<semaphore_mem>>) src(%dma_wait3A_159 : memref<1000000x32xf32, #tpu.memory_space<hbm>>) dst(%dma_wait3A_153 : memref<128x32xf32, #tpu.memory_space<vmem>>)
      %dma_wait3A_160 = arith.constant 3 : i32
      %dma_wait3A_161 = arith.constant 384 : i32
      %dma_wait3A_162 = arith.constant 0 : i32
      %dma_wait3A_163 = tpu.memref_slice %run_scoped3A_3[%dma_wait3A_161, %dma_wait3A_162] : memref<512x32xf32, #tpu.memory_space<vmem>> -> memref<128x32xf32, #tpu.memory_space<vmem>>
      %dma_wait3A_164 = arith.constant 0 : i32
      %dma_wait3A_165 = tpu.memref_slice %run_scoped3A_1[%dma_wait3A_160, %dma_wait3A_164] : memref<4x128xi32, #tpu.memory_space<vmem>> -> memref<1x128xi32, #tpu.memory_space<vmem>>
      %dma_wait3A_166 = tpu.memref_squeeze %dma_wait3A_165 : memref<1x128xi32, #tpu.memory_space<vmem>> -> memref<128xi32, #tpu.memory_space<vmem>>
      %dma_wait3A_167 = arith.constant 0 : i32
      %dma_wait3A_168 = arith.constant 0 : i32
      %dma_wait3A_169 = tpu.memref_slice %arg7[%dma_wait3A_167, %dma_wait3A_168] : memref<1000000x32xf32, #tpu.memory_space<hbm>> -> memref<1000000x32xf32, #tpu.memory_space<hbm>>
      tpu.wait_indirect_dma semaphore(%run_scoped3A_7 : memref<!tpu.dma_semaphore, #tpu.memory_space<semaphore_mem>>) src(%dma_wait3A_169 : memref<1000000x32xf32, #tpu.memory_space<hbm>>) dst(%dma_wait3A_163 : memref<128x32xf32, #tpu.memory_space<vmem>>)
      %get3A = arith.constant 512 : index
      %get3A_170 = tpu.vector_load %run_scoped3A_5[%get3A] {strides = array<i32>} : memref<560xf32, #tpu.memory_space<vmem>>, vector<16xf32>,
      %get3A_171 = arith.constant 528 : index
      %get3A_172 = tpu.vector_load %run_scoped3A_5[%get3A_171] {strides = array<i32>} : memref<560xf32, #tpu.memory_space<vmem>>, vector<16xf32>,
      %get3A_173 = arith.constant 544 : index
      %get3A_174 = tpu.vector_load %run_scoped3A_5[%get3A_173] {strides = array<i32>} : memref<560xf32, #tpu.memory_space<vmem>>, vector<16xf32>,
      %iota3A = tpu.iota {dimensions = array<i32: 0>} : vector<16xi32>
      %scan3A = arith.constant 0 : i32
      %scan3A_175 = arith.constant 0 : i32
      %scan3A_176 = arith.constant 32 : i32
      %scan3A_177 = arith.addi %scan3A_175, %scan3A_176 : i32
      %scan3A_178 = arith.constant 1 : i32
      scf.for %scan3A_182 = %scan3A_175 to %scan3A_177 step %scan3A_178  : i32 {
        %mul3A_183 = arith.constant 16 : i32
        %mul3A_184 = arith.muli %scan3A_182, %mul3A_183 : i32
        %add3A_185 = vector.broadcast %mul3A_184 : i32 to vector<16xi32>
        %add3A_186 = arith.addi %add3A_185, %iota3A : vector<16xi32>
        %get3A_187 = arith.constant 0 : i32
        %get3A_188 = arith.index_cast %get3A_187 : i32 to index
        %get3A_189 = arith.index_cast %mul3A_184 : i32 to index
        %get3A_190 = tpu.vector_load %run_scoped3A_4[%get3A_188, %get3A_189] {strides = array<i32>} : memref<2x512xf32, #tpu.memory_space<vmem>>, vector<16xf32>,
        %mul3A_191 = arith.mulf %get3A_190, %get3A_170 : vector<16xf32>
        %add3A_192 = arith.addf %get3A_174, %mul3A_191 : vector<16xf32>
        %get3A_193 = arith.constant 1 : i32
        %get3A_194 = arith.index_cast %get3A_193 : i32 to index
        %get3A_195 = arith.index_cast %mul3A_184 : i32 to index
        %get3A_196 = tpu.vector_load %run_scoped3A_4[%get3A_194, %get3A_195] {strides = array<i32>} : memref<2x512xf32, #tpu.memory_space<vmem>>, vector<16xf32>,
        %mul3A_197 = arith.mulf %get3A_196, %get3A_172 : vector<16xf32>
        %add3A_198 = arith.addf %add3A_192, %mul3A_197 : vector<16xf32>
        %broadcast_in_dim3A = arith.constant 0 : i32
        %broadcast_in_dim3A_199 = vector.broadcast %broadcast_in_dim3A : i32 to vector<16xi32>
        %get3A_200 = arith.constant 0 : index
        %get3A_201 = tpu.vector_load %run_scoped3A_5[%get3A_200] {strides = array<i32>} : memref<560xf32, #tpu.memory_space<vmem>>, vector<16xf32>,
        %gather3A = tpu.vector_load_idx %run_scoped3A_2[%add3A_186, %broadcast_in_dim3A_199] : memref<512x32xf32, #tpu.memory_space<vmem>>[vector<16xi32>, vector<16xi32>], vector<16xf32>,
        %gather3A_202 = tpu.vector_load_idx %run_scoped3A_3[%add3A_186, %broadcast_in_dim3A_199] : memref<512x32xf32, #tpu.memory_space<vmem>>[vector<16xi32>, vector<16xi32>], vector<16xf32>,
        %mul3A_203 = arith.mulf %gather3A, %gather3A_202 : vector<16xf32>
        %mul3A_204 = arith.mulf %mul3A_203, %get3A_201 : vector<16xf32>
        %add3A_205 = arith.addf %add3A_198, %mul3A_204 : vector<16xf32>
        %broadcast_in_dim3A_206 = arith.constant 1 : i32
        %broadcast_in_dim3A_207 = vector.broadcast %broadcast_in_dim3A_206 : i32 to vector<16xi32>
        %get3A_208 = arith.constant 16 : index
        %get3A_209 = tpu.vector_load %run_scoped3A_5[%get3A_208] {strides = array<i32>} : memref<560xf32, #tpu.memory_space<vmem>>, vector<16xf32>,
        %gather3A_210 = tpu.vector_load_idx %run_scoped3A_2[%add3A_186, %broadcast_in_dim3A_207] : memref<512x32xf32, #tpu.memory_space<vmem>>[vector<16xi32>, vector<16xi32>], vector<16xf32>,
        %gather3A_211 = tpu.vector_load_idx %run_scoped3A_3[%add3A_186, %broadcast_in_dim3A_207] : memref<512x32xf32, #tpu.memory_space<vmem>>[vector<16xi32>, vector<16xi32>], vector<16xf32>,
        %mul3A_212 = arith.mulf %gather3A_210, %gather3A_211 : vector<16xf32>
        %mul3A_213 = arith.mulf %mul3A_212, %get3A_209 : vector<16xf32>
        %add3A_214 = arith.addf %add3A_205, %mul3A_213 : vector<16xf32>
        %broadcast_in_dim3A_215 = arith.constant 2 : i32
        %broadcast_in_dim3A_216 = vector.broadcast %broadcast_in_dim3A_215 : i32 to vector<16xi32>
        %get3A_217 = arith.constant 32 : index
        %get3A_218 = tpu.vector_load %run_scoped3A_5[%get3A_217] {strides = array<i32>} : memref<560xf32, #tpu.memory_space<vmem>>, vector<16xf32>,
        %gather3A_219 = tpu.vector_load_idx %run_scoped3A_2[%add3A_186, %broadcast_in_dim3A_216] : memref<512x32xf32, #tpu.memory_space<vmem>>[vector<16xi32>, vector<16xi32>], vector<16xf32>,
        %gather3A_220 = tpu.vector_load_idx %run_scoped3A_3[%add3A_186, %broadcast_in_dim3A_216] : memref<512x32xf32, #tpu.memory_space<vmem>>[vector<16xi32>, vector<16xi32>], vector<16xf32>,
        %mul3A_221 = arith.mulf %gather3A_219, %gather3A_220 : vector<16xf32>
        %mul3A_222 = arith.mulf %mul3A_221, %get3A_218 : vector<16xf32>
        %add3A_223 = arith.addf %add3A_214, %mul3A_222 : vector<16xf32>
        %broadcast_in_dim3A_224 = arith.constant 3 : i32
        %broadcast_in_dim3A_225 = vector.broadcast %broadcast_in_dim3A_224 : i32 to vector<16xi32>
        %get3A_226 = arith.constant 48 : index
        %get3A_227 = tpu.vector_load %run_scoped3A_5[%get3A_226] {strides = array<i32>} : memref<560xf32, #tpu.memory_space<vmem>>, vector<16xf32>,
        %gather3A_228 = tpu.vector_load_idx %run_scoped3A_2[%add3A_186, %broadcast_in_dim3A_225] : memref<512x32xf32, #tpu.memory_space<vmem>>[vector<16xi32>, vector<16xi32>], vector<16xf32>,
        %gather3A_229 = tpu.vector_load_idx %run_scoped3A_3[%add3A_186, %broadcast_in_dim3A_225] : memref<512x32xf32, #tpu.memory_space<vmem>>[vector<16xi32>, vector<16xi32>], vector<16xf32>,
        %mul3A_230 = arith.mulf %gather3A_228, %gather3A_229 : vector<16xf32>
        %mul3A_231 = arith.mulf %mul3A_230, %get3A_227 : vector<16xf32>
        %add3A_232 = arith.addf %add3A_223, %mul3A_231 : vector<16xf32>
        %broadcast_in_dim3A_233 = arith.constant 4 : i32
        %broadcast_in_dim3A_234 = vector.broadcast %broadcast_in_dim3A_233 : i32 to vector<16xi32>
        %get3A_235 = arith.constant 64 : index
        %get3A_236 = tpu.vector_load %run_scoped3A_5[%get3A_235] {strides = array<i32>} : memref<560xf32, #tpu.memory_space<vmem>>, vector<16xf32>,
        %gather3A_237 = tpu.vector_load_idx %run_scoped3A_2[%add3A_186, %broadcast_in_dim3A_234] : memref<512x32xf32, #tpu.memory_space<vmem>>[vector<16xi32>, vector<16xi32>], vector<16xf32>,
        %gather3A_238 = tpu.vector_load_idx %run_scoped3A_3[%add3A_186, %broadcast_in_dim3A_234] : memref<512x32xf32, #tpu.memory_space<vmem>>[vector<16xi32>, vector<16xi32>], vector<16xf32>,
        %mul3A_239 = arith.mulf %gather3A_237, %gather3A_238 : vector<16xf32>
        %mul3A_240 = arith.mulf %mul3A_239, %get3A_236 : vector<16xf32>
        %add3A_241 = arith.addf %add3A_232, %mul3A_240 : vector<16xf32>
        %broadcast_in_dim3A_242 = arith.constant 5 : i32
        %broadcast_in_dim3A_243 = vector.broadcast %broadcast_in_dim3A_242 : i32 to vector<16xi32>
        %get3A_244 = arith.constant 80 : index
        %get3A_245 = tpu.vector_load %run_scoped3A_5[%get3A_244] {strides = array<i32>} : memref<560xf32, #tpu.memory_space<vmem>>, vector<16xf32>,
        %gather3A_246 = tpu.vector_load_idx %run_scoped3A_2[%add3A_186, %broadcast_in_dim3A_243] : memref<512x32xf32, #tpu.memory_space<vmem>>[vector<16xi32>, vector<16xi32>], vector<16xf32>,
        %gather3A_247 = tpu.vector_load_idx %run_scoped3A_3[%add3A_186, %broadcast_in_dim3A_243] : memref<512x32xf32, #tpu.memory_space<vmem>>[vector<16xi32>, vector<16xi32>], vector<16xf32>,
        %mul3A_248 = arith.mulf %gather3A_246, %gather3A_247 : vector<16xf32>
        %mul3A_249 = arith.mulf %mul3A_248, %get3A_245 : vector<16xf32>
        %add3A_250 = arith.addf %add3A_241, %mul3A_249 : vector<16xf32>
        %broadcast_in_dim3A_251 = arith.constant 6 : i32
        %broadcast_in_dim3A_252 = vector.broadcast %broadcast_in_dim3A_251 : i32 to vector<16xi32>
        %get3A_253 = arith.constant 96 : index
        %get3A_254 = tpu.vector_load %run_scoped3A_5[%get3A_253] {strides = array<i32>} : memref<560xf32, #tpu.memory_space<vmem>>, vector<16xf32>,
        %gather3A_255 = tpu.vector_load_idx %run_scoped3A_2[%add3A_186, %broadcast_in_dim3A_252] : memref<512x32xf32, #tpu.memory_space<vmem>>[vector<16xi32>, vector<16xi32>], vector<16xf32>,
        %gather3A_256 = tpu.vector_load_idx %run_scoped3A_3[%add3A_186, %broadcast_in_dim3A_252] : memref<512x32xf32, #tpu.memory_space<vmem>>[vector<16xi32>, vector<16xi32>], vector<16xf32>,
        %mul3A_257 = arith.mulf %gather3A_255, %gather3A_256 : vector<16xf32>
        %mul3A_258 = arith.mulf %mul3A_257, %get3A_254 : vector<16xf32>
        %add3A_259 = arith.addf %add3A_250, %mul3A_258 : vector<16xf32>
        %broadcast_in_dim3A_260 = arith.constant 7 : i32
        %broadcast_in_dim3A_261 = vector.broadcast %broadcast_in_dim3A_260 : i32 to vector<16xi32>
        %get3A_262 = arith.constant 112 : index
        %get3A_263 = tpu.vector_load %run_scoped3A_5[%get3A_262] {strides = array<i32>} : memref<560xf32, #tpu.memory_space<vmem>>, vector<16xf32>,
        %gather3A_264 = tpu.vector_load_idx %run_scoped3A_2[%add3A_186, %broadcast_in_dim3A_261] : memref<512x32xf32, #tpu.memory_space<vmem>>[vector<16xi32>, vector<16xi32>], vector<16xf32>,
        %gather3A_265 = tpu.vector_load_idx %run_scoped3A_3[%add3A_186, %broadcast_in_dim3A_261] : memref<512x32xf32, #tpu.memory_space<vmem>>[vector<16xi32>, vector<16xi32>], vector<16xf32>,
        %mul3A_266 = arith.mulf %gather3A_264, %gather3A_265 : vector<16xf32>
        %mul3A_267 = arith.mulf %mul3A_266, %get3A_263 : vector<16xf32>
        %add3A_268 = arith.addf %add3A_259, %mul3A_267 : vector<16xf32>
        %broadcast_in_dim3A_269 = arith.constant 8 : i32
        %broadcast_in_dim3A_270 = vector.broadcast %broadcast_in_dim3A_269 : i32 to vector<16xi32>
        %get3A_271 = arith.constant 128 : index
        %get3A_272 = tpu.vector_load %run_scoped3A_5[%get3A_271] {strides = array<i32>} : memref<560xf32, #tpu.memory_space<vmem>>, vector<16xf32>,
        %gather3A_273 = tpu.vector_load_idx %run_scoped3A_2[%add3A_186, %broadcast_in_dim3A_270] : memref<512x32xf32, #tpu.memory_space<vmem>>[vector<16xi32>, vector<16xi32>], vector<16xf32>,
        %gather3A_274 = tpu.vector_load_idx %run_scoped3A_3[%add3A_186, %broadcast_in_dim3A_270] : memref<512x32xf32, #tpu.memory_space<vmem>>[vector<16xi32>, vector<16xi32>], vector<16xf32>,
        %mul3A_275 = arith.mulf %gather3A_273, %gather3A_274 : vector<16xf32>
        %mul3A_276 = arith.mulf %mul3A_275, %get3A_272 : vector<16xf32>
        %add3A_277 = arith.addf %add3A_268, %mul3A_276 : vector<16xf32>
        %broadcast_in_dim3A_278 = arith.constant 9 : i32
        %broadcast_in_dim3A_279 = vector.broadcast %broadcast_in_dim3A_278 : i32 to vector<16xi32>
        %get3A_280 = arith.constant 144 : index
        %get3A_281 = tpu.vector_load %run_scoped3A_5[%get3A_280] {strides = array<i32>} : memref<560xf32, #tpu.memory_space<vmem>>, vector<16xf32>,
        %gather3A_282 = tpu.vector_load_idx %run_scoped3A_2[%add3A_186, %broadcast_in_dim3A_279] : memref<512x32xf32, #tpu.memory_space<vmem>>[vector<16xi32>, vector<16xi32>], vector<16xf32>,
        %gather3A_283 = tpu.vector_load_idx %run_scoped3A_3[%add3A_186, %broadcast_in_dim3A_279] : memref<512x32xf32, #tpu.memory_space<vmem>>[vector<16xi32>, vector<16xi32>], vector<16xf32>,
        %mul3A_284 = arith.mulf %gather3A_282, %gather3A_283 : vector<16xf32>
        %mul3A_285 = arith.mulf %mul3A_284, %get3A_281 : vector<16xf32>
        %add3A_286 = arith.addf %add3A_277, %mul3A_285 : vector<16xf32>
        %broadcast_in_dim3A_287 = arith.constant 10 : i32
        %broadcast_in_dim3A_288 = vector.broadcast %broadcast_in_dim3A_287 : i32 to vector<16xi32>
        %get3A_289 = arith.constant 160 : index
        %get3A_290 = tpu.vector_load %run_scoped3A_5[%get3A_289] {strides = array<i32>} : memref<560xf32, #tpu.memory_space<vmem>>, vector<16xf32>,
        %gather3A_291 = tpu.vector_load_idx %run_scoped3A_2[%add3A_186, %broadcast_in_dim3A_288] : memref<512x32xf32, #tpu.memory_space<vmem>>[vector<16xi32>, vector<16xi32>], vector<16xf32>,
        %gather3A_292 = tpu.vector_load_idx %run_scoped3A_3[%add3A_186, %broadcast_in_dim3A_288] : memref<512x32xf32, #tpu.memory_space<vmem>>[vector<16xi32>, vector<16xi32>], vector<16xf32>,
        %mul3A_293 = arith.mulf %gather3A_291, %gather3A_292 : vector<16xf32>
        %mul3A_294 = arith.mulf %mul3A_293, %get3A_290 : vector<16xf32>
        %add3A_295 = arith.addf %add3A_286, %mul3A_294 : vector<16xf32>
        %broadcast_in_dim3A_296 = arith.constant 11 : i32
        %broadcast_in_dim3A_297 = vector.broadcast %broadcast_in_dim3A_296 : i32 to vector<16xi32>
        %get3A_298 = arith.constant 176 : index
        %get3A_299 = tpu.vector_load %run_scoped3A_5[%get3A_298] {strides = array<i32>} : memref<560xf32, #tpu.memory_space<vmem>>, vector<16xf32>,
        %gather3A_300 = tpu.vector_load_idx %run_scoped3A_2[%add3A_186, %broadcast_in_dim3A_297] : memref<512x32xf32, #tpu.memory_space<vmem>>[vector<16xi32>, vector<16xi32>], vector<16xf32>,
        %gather3A_301 = tpu.vector_load_idx %run_scoped3A_3[%add3A_186, %broadcast_in_dim3A_297] : memref<512x32xf32, #tpu.memory_space<vmem>>[vector<16xi32>, vector<16xi32>], vector<16xf32>,
        %mul3A_302 = arith.mulf %gather3A_300, %gather3A_301 : vector<16xf32>
        %mul3A_303 = arith.mulf %mul3A_302, %get3A_299 : vector<16xf32>
        %add3A_304 = arith.addf %add3A_295, %mul3A_303 : vector<16xf32>
        %broadcast_in_dim3A_305 = arith.constant 12 : i32
        %broadcast_in_dim3A_306 = vector.broadcast %broadcast_in_dim3A_305 : i32 to vector<16xi32>
        %get3A_307 = arith.constant 192 : index
        %get3A_308 = tpu.vector_load %run_scoped3A_5[%get3A_307] {strides = array<i32>} : memref<560xf32, #tpu.memory_space<vmem>>, vector<16xf32>,
        %gather3A_309 = tpu.vector_load_idx %run_scoped3A_2[%add3A_186, %broadcast_in_dim3A_306] : memref<512x32xf32, #tpu.memory_space<vmem>>[vector<16xi32>, vector<16xi32>], vector<16xf32>,
        %gather3A_310 = tpu.vector_load_idx %run_scoped3A_3[%add3A_186, %broadcast_in_dim3A_306] : memref<512x32xf32, #tpu.memory_space<vmem>>[vector<16xi32>, vector<16xi32>], vector<16xf32>,
        %mul3A_311 = arith.mulf %gather3A_309, %gather3A_310 : vector<16xf32>
        %mul3A_312 = arith.mulf %mul3A_311, %get3A_308 : vector<16xf32>
        %add3A_313 = arith.addf %add3A_304, %mul3A_312 : vector<16xf32>
        %broadcast_in_dim3A_314 = arith.constant 13 : i32
        %broadcast_in_dim3A_315 = vector.broadcast %broadcast_in_dim3A_314 : i32 to vector<16xi32>
        %get3A_316 = arith.constant 208 : index
        %get3A_317 = tpu.vector_load %run_scoped3A_5[%get3A_316] {strides = array<i32>} : memref<560xf32, #tpu.memory_space<vmem>>, vector<16xf32>,
        %gather3A_318 = tpu.vector_load_idx %run_scoped3A_2[%add3A_186, %broadcast_in_dim3A_315] : memref<512x32xf32, #tpu.memory_space<vmem>>[vector<16xi32>, vector<16xi32>], vector<16xf32>,
        %gather3A_319 = tpu.vector_load_idx %run_scoped3A_3[%add3A_186, %broadcast_in_dim3A_315] : memref<512x32xf32, #tpu.memory_space<vmem>>[vector<16xi32>, vector<16xi32>], vector<16xf32>,
        %mul3A_320 = arith.mulf %gather3A_318, %gather3A_319 : vector<16xf32>
        %mul3A_321 = arith.mulf %mul3A_320, %get3A_317 : vector<16xf32>
        %add3A_322 = arith.addf %add3A_313, %mul3A_321 : vector<16xf32>
        %broadcast_in_dim3A_323 = arith.constant 14 : i32
        %broadcast_in_dim3A_324 = vector.broadcast %broadcast_in_dim3A_323 : i32 to vector<16xi32>
        %get3A_325 = arith.constant 224 : index
        %get3A_326 = tpu.vector_load %run_scoped3A_5[%get3A_325] {strides = array<i32>} : memref<560xf32, #tpu.memory_space<vmem>>, vector<16xf32>,
        %gather3A_327 = tpu.vector_load_idx %run_scoped3A_2[%add3A_186, %broadcast_in_dim3A_324] : memref<512x32xf32, #tpu.memory_space<vmem>>[vector<16xi32>, vector<16xi32>], vector<16xf32>,
        %gather3A_328 = tpu.vector_load_idx %run_scoped3A_3[%add3A_186, %broadcast_in_dim3A_324] : memref<512x32xf32, #tpu.memory_space<vmem>>[vector<16xi32>, vector<16xi32>], vector<16xf32>,
        %mul3A_329 = arith.mulf %gather3A_327, %gather3A_328 : vector<16xf32>
        %mul3A_330 = arith.mulf %mul3A_329, %get3A_326 : vector<16xf32>
        %add3A_331 = arith.addf %add3A_322, %mul3A_330 : vector<16xf32>
        %broadcast_in_dim3A_332 = arith.constant 15 : i32
        %broadcast_in_dim3A_333 = vector.broadcast %broadcast_in_dim3A_332 : i32 to vector<16xi32>
        %get3A_334 = arith.constant 240 : index
        %get3A_335 = tpu.vector_load %run_scoped3A_5[%get3A_334] {strides = array<i32>} : memref<560xf32, #tpu.memory_space<vmem>>, vector<16xf32>,
        %gather3A_336 = tpu.vector_load_idx %run_scoped3A_2[%add3A_186, %broadcast_in_dim3A_333] : memref<512x32xf32, #tpu.memory_space<vmem>>[vector<16xi32>, vector<16xi32>], vector<16xf32>,
        %gather3A_337 = tpu.vector_load_idx %run_scoped3A_3[%add3A_186, %broadcast_in_dim3A_333] : memref<512x32xf32, #tpu.memory_space<vmem>>[vector<16xi32>, vector<16xi32>], vector<16xf32>,
        %mul3A_338 = arith.mulf %gather3A_336, %gather3A_337 : vector<16xf32>
        %mul3A_339 = arith.mulf %mul3A_338, %get3A_335 : vector<16xf32>
        %add3A_340 = arith.addf %add3A_331, %mul3A_339 : vector<16xf32>
        %broadcast_in_dim3A_341 = arith.constant 16 : i32
        %broadcast_in_dim3A_342 = vector.broadcast %broadcast_in_dim3A_341 : i32 to vector<16xi32>
        %get3A_343 = arith.constant 256 : index
        %get3A_344 = tpu.vector_load %run_scoped3A_5[%get3A_343] {strides = array<i32>} : memref<560xf32, #tpu.memory_space<vmem>>, vector<16xf32>,
        %gather3A_345 = tpu.vector_load_idx %run_scoped3A_2[%add3A_186, %broadcast_in_dim3A_342] : memref<512x32xf32, #tpu.memory_space<vmem>>[vector<16xi32>, vector<16xi32>], vector<16xf32>,
        %gather3A_346 = tpu.vector_load_idx %run_scoped3A_3[%add3A_186, %broadcast_in_dim3A_342] : memref<512x32xf32, #tpu.memory_space<vmem>>[vector<16xi32>, vector<16xi32>], vector<16xf32>,
        %mul3A_347 = arith.mulf %gather3A_345, %gather3A_346 : vector<16xf32>
        %mul3A_348 = arith.mulf %mul3A_347, %get3A_344 : vector<16xf32>
        %add3A_349 = arith.addf %add3A_340, %mul3A_348 : vector<16xf32>
        %broadcast_in_dim3A_350 = arith.constant 17 : i32
        %broadcast_in_dim3A_351 = vector.broadcast %broadcast_in_dim3A_350 : i32 to vector<16xi32>
        %get3A_352 = arith.constant 272 : index
        %get3A_353 = tpu.vector_load %run_scoped3A_5[%get3A_352] {strides = array<i32>} : memref<560xf32, #tpu.memory_space<vmem>>, vector<16xf32>,
        %gather3A_354 = tpu.vector_load_idx %run_scoped3A_2[%add3A_186, %broadcast_in_dim3A_351] : memref<512x32xf32, #tpu.memory_space<vmem>>[vector<16xi32>, vector<16xi32>], vector<16xf32>,
        %gather3A_355 = tpu.vector_load_idx %run_scoped3A_3[%add3A_186, %broadcast_in_dim3A_351] : memref<512x32xf32, #tpu.memory_space<vmem>>[vector<16xi32>, vector<16xi32>], vector<16xf32>,
        %mul3A_356 = arith.mulf %gather3A_354, %gather3A_355 : vector<16xf32>
        %mul3A_357 = arith.mulf %mul3A_356, %get3A_353 : vector<16xf32>
        %add3A_358 = arith.addf %add3A_349, %mul3A_357 : vector<16xf32>
        %broadcast_in_dim3A_359 = arith.constant 18 : i32
        %broadcast_in_dim3A_360 = vector.broadcast %broadcast_in_dim3A_359 : i32 to vector<16xi32>
        %get3A_361 = arith.constant 288 : index
        %get3A_362 = tpu.vector_load %run_scoped3A_5[%get3A_361] {strides = array<i32>} : memref<560xf32, #tpu.memory_space<vmem>>, vector<16xf32>,
        %gather3A_363 = tpu.vector_load_idx %run_scoped3A_2[%add3A_186, %broadcast_in_dim3A_360] : memref<512x32xf32, #tpu.memory_space<vmem>>[vector<16xi32>, vector<16xi32>], vector<16xf32>,
        %gather3A_364 = tpu.vector_load_idx %run_scoped3A_3[%add3A_186, %broadcast_in_dim3A_360] : memref<512x32xf32, #tpu.memory_space<vmem>>[vector<16xi32>, vector<16xi32>], vector<16xf32>,
        %mul3A_365 = arith.mulf %gather3A_363, %gather3A_364 : vector<16xf32>
        %mul3A_366 = arith.mulf %mul3A_365, %get3A_362 : vector<16xf32>
        %add3A_367 = arith.addf %add3A_358, %mul3A_366 : vector<16xf32>
        %broadcast_in_dim3A_368 = arith.constant 19 : i32
        %broadcast_in_dim3A_369 = vector.broadcast %broadcast_in_dim3A_368 : i32 to vector<16xi32>
        %get3A_370 = arith.constant 304 : index
        %get3A_371 = tpu.vector_load %run_scoped3A_5[%get3A_370] {strides = array<i32>} : memref<560xf32, #tpu.memory_space<vmem>>, vector<16xf32>,
        %gather3A_372 = tpu.vector_load_idx %run_scoped3A_2[%add3A_186, %broadcast_in_dim3A_369] : memref<512x32xf32, #tpu.memory_space<vmem>>[vector<16xi32>, vector<16xi32>], vector<16xf32>,
        %gather3A_373 = tpu.vector_load_idx %run_scoped3A_3[%add3A_186, %broadcast_in_dim3A_369] : memref<512x32xf32, #tpu.memory_space<vmem>>[vector<16xi32>, vector<16xi32>], vector<16xf32>,
        %mul3A_374 = arith.mulf %gather3A_372, %gather3A_373 : vector<16xf32>
        %mul3A_375 = arith.mulf %mul3A_374, %get3A_371 : vector<16xf32>
        %add3A_376 = arith.addf %add3A_367, %mul3A_375 : vector<16xf32>
        %broadcast_in_dim3A_377 = arith.constant 20 : i32
        %broadcast_in_dim3A_378 = vector.broadcast %broadcast_in_dim3A_377 : i32 to vector<16xi32>
        %get3A_379 = arith.constant 320 : index
        %get3A_380 = tpu.vector_load %run_scoped3A_5[%get3A_379] {strides = array<i32>} : memref<560xf32, #tpu.memory_space<vmem>>, vector<16xf32>,
        %gather3A_381 = tpu.vector_load_idx %run_scoped3A_2[%add3A_186, %broadcast_in_dim3A_378] : memref<512x32xf32, #tpu.memory_space<vmem>>[vector<16xi32>, vector<16xi32>], vector<16xf32>,
        %gather3A_382 = tpu.vector_load_idx %run_scoped3A_3[%add3A_186, %broadcast_in_dim3A_378] : memref<512x32xf32, #tpu.memory_space<vmem>>[vector<16xi32>, vector<16xi32>], vector<16xf32>,
        %mul3A_383 = arith.mulf %gather3A_381, %gather3A_382 : vector<16xf32>
        %mul3A_384 = arith.mulf %mul3A_383, %get3A_380 : vector<16xf32>
        %add3A_385 = arith.addf %add3A_376, %mul3A_384 : vector<16xf32>
        %broadcast_in_dim3A_386 = arith.constant 21 : i32
        %broadcast_in_dim3A_387 = vector.broadcast %broadcast_in_dim3A_386 : i32 to vector<16xi32>
        %get3A_388 = arith.constant 336 : index
        %get3A_389 = tpu.vector_load %run_scoped3A_5[%get3A_388] {strides = array<i32>} : memref<560xf32, #tpu.memory_space<vmem>>, vector<16xf32>,
        %gather3A_390 = tpu.vector_load_idx %run_scoped3A_2[%add3A_186, %broadcast_in_dim3A_387] : memref<512x32xf32, #tpu.memory_space<vmem>>[vector<16xi32>, vector<16xi32>], vector<16xf32>,
        %gather3A_391 = tpu.vector_load_idx %run_scoped3A_3[%add3A_186, %broadcast_in_dim3A_387] : memref<512x32xf32, #tpu.memory_space<vmem>>[vector<16xi32>, vector<16xi32>], vector<16xf32>,
        %mul3A_392 = arith.mulf %gather3A_390, %gather3A_391 : vector<16xf32>
        %mul3A_393 = arith.mulf %mul3A_392, %get3A_389 : vector<16xf32>
        %add3A_394 = arith.addf %add3A_385, %mul3A_393 : vector<16xf32>
        %broadcast_in_dim3A_395 = arith.constant 22 : i32
        %broadcast_in_dim3A_396 = vector.broadcast %broadcast_in_dim3A_395 : i32 to vector<16xi32>
        %get3A_397 = arith.constant 352 : index
        %get3A_398 = tpu.vector_load %run_scoped3A_5[%get3A_397] {strides = array<i32>} : memref<560xf32, #tpu.memory_space<vmem>>, vector<16xf32>,
        %gather3A_399 = tpu.vector_load_idx %run_scoped3A_2[%add3A_186, %broadcast_in_dim3A_396] : memref<512x32xf32, #tpu.memory_space<vmem>>[vector<16xi32>, vector<16xi32>], vector<16xf32>,
        %gather3A_400 = tpu.vector_load_idx %run_scoped3A_3[%add3A_186, %broadcast_in_dim3A_396] : memref<512x32xf32, #tpu.memory_space<vmem>>[vector<16xi32>, vector<16xi32>], vector<16xf32>,
        %mul3A_401 = arith.mulf %gather3A_399, %gather3A_400 : vector<16xf32>
        %mul3A_402 = arith.mulf %mul3A_401, %get3A_398 : vector<16xf32>
        %add3A_403 = arith.addf %add3A_394, %mul3A_402 : vector<16xf32>
        %broadcast_in_dim3A_404 = arith.constant 23 : i32
        %broadcast_in_dim3A_405 = vector.broadcast %broadcast_in_dim3A_404 : i32 to vector<16xi32>
        %get3A_406 = arith.constant 368 : index
        %get3A_407 = tpu.vector_load %run_scoped3A_5[%get3A_406] {strides = array<i32>} : memref<560xf32, #tpu.memory_space<vmem>>, vector<16xf32>,
        %gather3A_408 = tpu.vector_load_idx %run_scoped3A_2[%add3A_186, %broadcast_in_dim3A_405] : memref<512x32xf32, #tpu.memory_space<vmem>>[vector<16xi32>, vector<16xi32>], vector<16xf32>,
        %gather3A_409 = tpu.vector_load_idx %run_scoped3A_3[%add3A_186, %broadcast_in_dim3A_405] : memref<512x32xf32, #tpu.memory_space<vmem>>[vector<16xi32>, vector<16xi32>], vector<16xf32>,
        %mul3A_410 = arith.mulf %gather3A_408, %gather3A_409 : vector<16xf32>
        %mul3A_411 = arith.mulf %mul3A_410, %get3A_407 : vector<16xf32>
        %add3A_412 = arith.addf %add3A_403, %mul3A_411 : vector<16xf32>
        %broadcast_in_dim3A_413 = arith.constant 24 : i32
        %broadcast_in_dim3A_414 = vector.broadcast %broadcast_in_dim3A_413 : i32 to vector<16xi32>
        %get3A_415 = arith.constant 384 : index
        %get3A_416 = tpu.vector_load %run_scoped3A_5[%get3A_415] {strides = array<i32>} : memref<560xf32, #tpu.memory_space<vmem>>, vector<16xf32>,
        %gather3A_417 = tpu.vector_load_idx %run_scoped3A_2[%add3A_186, %broadcast_in_dim3A_414] : memref<512x32xf32, #tpu.memory_space<vmem>>[vector<16xi32>, vector<16xi32>], vector<16xf32>,
        %gather3A_418 = tpu.vector_load_idx %run_scoped3A_3[%add3A_186, %broadcast_in_dim3A_414] : memref<512x32xf32, #tpu.memory_space<vmem>>[vector<16xi32>, vector<16xi32>], vector<16xf32>,
        %mul3A_419 = arith.mulf %gather3A_417, %gather3A_418 : vector<16xf32>
        %mul3A_420 = arith.mulf %mul3A_419, %get3A_416 : vector<16xf32>
        %add3A_421 = arith.addf %add3A_412, %mul3A_420 : vector<16xf32>
        %broadcast_in_dim3A_422 = arith.constant 25 : i32
        %broadcast_in_dim3A_423 = vector.broadcast %broadcast_in_dim3A_422 : i32 to vector<16xi32>
        %get3A_424 = arith.constant 400 : index
        %get3A_425 = tpu.vector_load %run_scoped3A_5[%get3A_424] {strides = array<i32>} : memref<560xf32, #tpu.memory_space<vmem>>, vector<16xf32>,
        %gather3A_426 = tpu.vector_load_idx %run_scoped3A_2[%add3A_186, %broadcast_in_dim3A_423] : memref<512x32xf32, #tpu.memory_space<vmem>>[vector<16xi32>, vector<16xi32>], vector<16xf32>,
        %gather3A_427 = tpu.vector_load_idx %run_scoped3A_3[%add3A_186, %broadcast_in_dim3A_423] : memref<512x32xf32, #tpu.memory_space<vmem>>[vector<16xi32>, vector<16xi32>], vector<16xf32>,
        %mul3A_428 = arith.mulf %gather3A_426, %gather3A_427 : vector<16xf32>
        %mul3A_429 = arith.mulf %mul3A_428, %get3A_425 : vector<16xf32>
        %add3A_430 = arith.addf %add3A_421, %mul3A_429 : vector<16xf32>
        %broadcast_in_dim3A_431 = arith.constant 26 : i32
        %broadcast_in_dim3A_432 = vector.broadcast %broadcast_in_dim3A_431 : i32 to vector<16xi32>
        %get3A_433 = arith.constant 416 : index
        %get3A_434 = tpu.vector_load %run_scoped3A_5[%get3A_433] {strides = array<i32>} : memref<560xf32, #tpu.memory_space<vmem>>, vector<16xf32>,
        %gather3A_435 = tpu.vector_load_idx %run_scoped3A_2[%add3A_186, %broadcast_in_dim3A_432] : memref<512x32xf32, #tpu.memory_space<vmem>>[vector<16xi32>, vector<16xi32>], vector<16xf32>,
        %gather3A_436 = tpu.vector_load_idx %run_scoped3A_3[%add3A_186, %broadcast_in_dim3A_432] : memref<512x32xf32, #tpu.memory_space<vmem>>[vector<16xi32>, vector<16xi32>], vector<16xf32>,
        %mul3A_437 = arith.mulf %gather3A_435, %gather3A_436 : vector<16xf32>
        %mul3A_438 = arith.mulf %mul3A_437, %get3A_434 : vector<16xf32>
        %add3A_439 = arith.addf %add3A_430, %mul3A_438 : vector<16xf32>
        %broadcast_in_dim3A_440 = arith.constant 27 : i32
        %broadcast_in_dim3A_441 = vector.broadcast %broadcast_in_dim3A_440 : i32 to vector<16xi32>
        %get3A_442 = arith.constant 432 : index
        %get3A_443 = tpu.vector_load %run_scoped3A_5[%get3A_442] {strides = array<i32>} : memref<560xf32, #tpu.memory_space<vmem>>, vector<16xf32>,
        %gather3A_444 = tpu.vector_load_idx %run_scoped3A_2[%add3A_186, %broadcast_in_dim3A_441] : memref<512x32xf32, #tpu.memory_space<vmem>>[vector<16xi32>, vector<16xi32>], vector<16xf32>,
        %gather3A_445 = tpu.vector_load_idx %run_scoped3A_3[%add3A_186, %broadcast_in_dim3A_441] : memref<512x32xf32, #tpu.memory_space<vmem>>[vector<16xi32>, vector<16xi32>], vector<16xf32>,
        %mul3A_446 = arith.mulf %gather3A_444, %gather3A_445 : vector<16xf32>
        %mul3A_447 = arith.mulf %mul3A_446, %get3A_443 : vector<16xf32>
        %add3A_448 = arith.addf %add3A_439, %mul3A_447 : vector<16xf32>
        %broadcast_in_dim3A_449 = arith.constant 28 : i32
        %broadcast_in_dim3A_450 = vector.broadcast %broadcast_in_dim3A_449 : i32 to vector<16xi32>
        %get3A_451 = arith.constant 448 : index
        %get3A_452 = tpu.vector_load %run_scoped3A_5[%get3A_451] {strides = array<i32>} : memref<560xf32, #tpu.memory_space<vmem>>, vector<16xf32>,
        %gather3A_453 = tpu.vector_load_idx %run_scoped3A_2[%add3A_186, %broadcast_in_dim3A_450] : memref<512x32xf32, #tpu.memory_space<vmem>>[vector<16xi32>, vector<16xi32>], vector<16xf32>,
        %gather3A_454 = tpu.vector_load_idx %run_scoped3A_3[%add3A_186, %broadcast_in_dim3A_450] : memref<512x32xf32, #tpu.memory_space<vmem>>[vector<16xi32>, vector<16xi32>], vector<16xf32>,
        %mul3A_455 = arith.mulf %gather3A_453, %gather3A_454 : vector<16xf32>
        %mul3A_456 = arith.mulf %mul3A_455, %get3A_452 : vector<16xf32>
        %add3A_457 = arith.addf %add3A_448, %mul3A_456 : vector<16xf32>
        %broadcast_in_dim3A_458 = arith.constant 29 : i32
        %broadcast_in_dim3A_459 = vector.broadcast %broadcast_in_dim3A_458 : i32 to vector<16xi32>
        %get3A_460 = arith.constant 464 : index
        %get3A_461 = tpu.vector_load %run_scoped3A_5[%get3A_460] {strides = array<i32>} : memref<560xf32, #tpu.memory_space<vmem>>, vector<16xf32>,
        %gather3A_462 = tpu.vector_load_idx %run_scoped3A_2[%add3A_186, %broadcast_in_dim3A_459] : memref<512x32xf32, #tpu.memory_space<vmem>>[vector<16xi32>, vector<16xi32>], vector<16xf32>,
        %gather3A_463 = tpu.vector_load_idx %run_scoped3A_3[%add3A_186, %broadcast_in_dim3A_459] : memref<512x32xf32, #tpu.memory_space<vmem>>[vector<16xi32>, vector<16xi32>], vector<16xf32>,
        %mul3A_464 = arith.mulf %gather3A_462, %gather3A_463 : vector<16xf32>
        %mul3A_465 = arith.mulf %mul3A_464, %get3A_461 : vector<16xf32>
        %add3A_466 = arith.addf %add3A_457, %mul3A_465 : vector<16xf32>
        %broadcast_in_dim3A_467 = arith.constant 30 : i32
        %broadcast_in_dim3A_468 = vector.broadcast %broadcast_in_dim3A_467 : i32 to vector<16xi32>
        %get3A_469 = arith.constant 480 : index
        %get3A_470 = tpu.vector_load %run_scoped3A_5[%get3A_469] {strides = array<i32>} : memref<560xf32, #tpu.memory_space<vmem>>, vector<16xf32>,
        %gather3A_471 = tpu.vector_load_idx %run_scoped3A_2[%add3A_186, %broadcast_in_dim3A_468] : memref<512x32xf32, #tpu.memory_space<vmem>>[vector<16xi32>, vector<16xi32>], vector<16xf32>,
        %gather3A_472 = tpu.vector_load_idx %run_scoped3A_3[%add3A_186, %broadcast_in_dim3A_468] : memref<512x32xf32, #tpu.memory_space<vmem>>[vector<16xi32>, vector<16xi32>], vector<16xf32>,
        %mul3A_473 = arith.mulf %gather3A_471, %gather3A_472 : vector<16xf32>
        %mul3A_474 = arith.mulf %mul3A_473, %get3A_470 : vector<16xf32>
        %add3A_475 = arith.addf %add3A_466, %mul3A_474 : vector<16xf32>
        %broadcast_in_dim3A_476 = arith.constant 31 : i32
        %broadcast_in_dim3A_477 = vector.broadcast %broadcast_in_dim3A_476 : i32 to vector<16xi32>
        %get3A_478 = arith.constant 496 : index
        %get3A_479 = tpu.vector_load %run_scoped3A_5[%get3A_478] {strides = array<i32>} : memref<560xf32, #tpu.memory_space<vmem>>, vector<16xf32>,
        %gather3A_480 = tpu.vector_load_idx %run_scoped3A_2[%add3A_186, %broadcast_in_dim3A_477] : memref<512x32xf32, #tpu.memory_space<vmem>>[vector<16xi32>, vector<16xi32>], vector<16xf32>,
        %gather3A_481 = tpu.vector_load_idx %run_scoped3A_3[%add3A_186, %broadcast_in_dim3A_477] : memref<512x32xf32, #tpu.memory_space<vmem>>[vector<16xi32>, vector<16xi32>], vector<16xf32>,
        %mul3A_482 = arith.mulf %gather3A_480, %gather3A_481 : vector<16xf32>
        %mul3A_483 = arith.mulf %mul3A_482, %get3A_479 : vector<16xf32>
        %add3A_484 = arith.addf %add3A_475, %mul3A_483 : vector<16xf32>
        %swap3A = arith.index_cast %mul3A_184 : i32 to index
        %swap3A_485 = tpu.vector_load %run_scoped3A_6[%swap3A] {strides = array<i32>} : memref<512xf32, #tpu.memory_space<vmem>>, vector<16xf32>,
        tpu.vector_store %run_scoped3A_6[%swap3A], %add3A_484 {strides = array<i32>} : memref<512xf32, #tpu.memory_space<vmem>>, vector<16xf32>,
      }
      %scan3A_179 = arith.constant 32 : i32
      %mul3A_180 = arith.constant 512 : i32
      %mul3A_181 = arith.muli %add3A, %mul3A_180 : i32
      "tpu.region"() ({
        %run_scoped3A_182 = tpu.sem_alloc : memref<!tpu.dma_semaphore, #tpu.memory_space<semaphore_mem>>
        %dma_start3A_183 = tpu.memref_slice %arg8[%mul3A_181] : memref<16384xf32, #tpu.memory_space<hbm>> -> memref<512xf32, #tpu.memory_space<hbm>>
        %dma_start3A_184 = tpu.memref_slice %arg8[%mul3A_181] : memref<16384xf32, #tpu.memory_space<hbm>> -> memref<512xf32, #tpu.memory_space<hbm>>
        tpu.enqueue_dma source(%run_scoped3A_6 : memref<512xf32, #tpu.memory_space<vmem>>) target(%dma_start3A_184 : memref<512xf32, #tpu.memory_space<hbm>>) target_semaphore(%run_scoped3A_182 : memref<!tpu.dma_semaphore, #tpu.memory_space<semaphore_mem>>)
        %dma_wait3A_185 = tpu.memref_slice %arg8[%mul3A_181] : memref<16384xf32, #tpu.memory_space<hbm>> -> memref<512xf32, #tpu.memory_space<hbm>>
        %dma_wait3A_186 = tpu.memref_slice %arg8[%mul3A_181] : memref<16384xf32, #tpu.memory_space<hbm>> -> memref<512xf32, #tpu.memory_space<hbm>>
        tpu.wait_dma2 semaphore(%run_scoped3A_182 : memref<!tpu.dma_semaphore, #tpu.memory_space<semaphore_mem>>) src(%run_scoped3A_6 : memref<512xf32, #tpu.memory_space<vmem>>) dst(%dma_wait3A_186 : memref<512xf32, #tpu.memory_space<hbm>>)
        tpu.yield
      }) : () -> ()
      tpu.yield
    }) : () -> ()
    return
  }
}

</mosaic_0001>

<sc_bundles>
// kernel: kernel.3.cloned.1.call-start
scs
__scs_entry_jumppad:
0x0: {  	(pc) =	sbr.rel $0x88, $3  }
0x1: {  	(tag) =	ssettag $0x0;
	lr =	simm.s32 $0x1  }
0x2: {  	[smem:$0x3F98] =	sst lr;
	_ =	strace $0xD0000000  }
0x3: {  	_ = 	snop  }
0x4: {  	_ = 	snop  }
0x5: {  	_ = 	snop  }
0x6: {  	_ = 	snop  }
0x7: {  	_ = 	snop  }
__scs_overlays_trampoline_lowered:
0x8: {  	[smem:$0x3FA7] =	sst s0  }
0x9: {  	[smem:$0x3FA8] =	sst s1  }
0xa: {  	[smem:$0x3FA9] =	sst s2  }
0xb: {  	[smem:$0x3FAA] =	sst s3  }
0xc: {  	[smem:$0x3FAB] =	sst s4  }
0xd: {  	[smem:$0x3FAC] =	sst s5  }
0xe: {  	[smem:$0x3FAD] =	sst s6  }
0xf: {  	[smem:$0x3FAE] =	sst s7  }
0x10: {  	[smem:$0x3FAF] =	sst s8  }
0x11: {  	[smem:$0x3FB0] =	sst s9;
	s0 =	simm.s32 @!p0 $0x0  }
0x12: {  	s1 =	sld [smem:$0x3F96];
	s0 =	simm.s32 @p0 $0x1  }
0x13: {  	[smem:$0x3FB1] =	sst s0;
	s0 =	simm.s32 @!p1 $0x0  }
0x14: {  	s2 =	sld [smem:$0x3F95];
	s0 =	simm.s32 @p1 $0x1  }
0x15: {  	[smem:$0x3FB2] =	sst s0;
	s0 =	simm.s32 @!p2 $0x0  }
0x16: {  	s3 =	sld [smem:$0x3FDB];
	s0 =	simm.s32 @p2 $0x1  }
0x17: {  	s4 =	simm.s32 $0x1BF5;
	[smem:$0x3FB4] =	sst s0  }
0x18: {  	s0 =	sld [smem:$0x3F97];
	_ =	swait.ge [sflag:s4], $0x0  }
0x19: {  	s7 =	sld [smem:$0x3F98]  }
0x1a: {  	s8 =	sadd.s32 $0xFFFFE003, lr  }
0x1b: {  	s9 =	sadd.s32 $0xFFFFFEF7, lr;
	s5 =	simm.s32 $0xFFFFFFFF;
	p2 =	slt.u32 s8, $0xFFFFF086  }
0x1c: {  	p1 =	slt.u32 s9, $0xF7A;
	s5 =	simm.s32 @!p2 $0x0  }
0x1d: {  	s5 =	simm.s32 @p1 $0x1;
	p0 =	seq.s32 s7, s2  }
0x1e: {  	s7 =	smul.u32 @!p0 $0xF7A, s2;
	p2 =	seq.s32 @!p0 s5, $0x0  }
0x1f: {  	s9 =	smul.u32 $0xF7A, s1;
	s8 =	simm.s32 @!p0 $0x1BF5;
	p2 =	por !p2, p0  }
0x20: {  	[sflag:s8] =	ssyncset.s32 @!p0 $0xFFFFF086;
	s6 =	sadd.s32 @!p0 s3, s7;
	s7 =	simm.s32 @!p0 $0x108  }
0x21: {  	s3 =	sadd.s32 s3, s9;
	s6 =	sadd.s32 @!p0 $0x88, s6;
	s7 =	simm.s32 @p2 $0x1082  }
0x22: {  	[simem:s7], [sflag:s8] =	dma.local @!p0 [hbm:s6], $0xF7A  }
0x23: {  	s9 =	sor.u32 $0xD0000000, s2;
	s6 =	simm.s32 $0x108;
	_ =	swait.ge @!p0 [sflag:s8], $0x0  }
0x24: {  	s3 =	sadd.s32 $0x88, s3;
	s6 =	simm.s32 @!p1 $0x1082;
	[sflag:s4] =	ssyncset.s32 $0xFFFFF086  }
0x25: {  	[simem:s6], [sflag:s4] =	dma.local [hbm:s3], $0xF7A  }
0x26: {  	[smem:$0x3F98] =	sst s1;
	(tag) =	ssettag s2;
	_ =	strace s9  }
0x27: {  	s1 =	sld [smem:$0x3FA8]  }
0x28: {  	s2 =	sld [smem:$0x3FA9]  }
0x29: {  	s4 =	sld [smem:$0x3FAB]  }
0x2a: {  	p0 =	seq.s32 s5, $0x0;
	s5 =	sld [smem:$0x3FAC]  }
0x2b: {  	s6 =	sld [smem:$0x3FAD]  }
0x2c: {  	s7 =	sld [smem:$0x3FAE]  }
0x2d: {  	s3 =	simm.s32 $0x108;
	s8 =	sld [smem:$0x3FAF]  }
0x2e: {  	s3 =	simm.s32 @!p0 $0x1082;
	s9 =	sld [smem:$0x3FB0]  }
0x2f: {  	lr =	sadd.s32 s0, s3;
	s0 =	sld [smem:$0x3FA7]  }
0x30: {  	s3 =	sld [smem:$0x3FAA]  }
0x31: {  	[smem:$0x3FB3] =	sst s10  }
0x32: {  	s10 =	sld [smem:$0x3FB1];
	_ =	sdelay $0x3  }
0x33: {  	p0 =	seq.s32 s10, $0x1;
	s10 =	sld [smem:$0x3FB3];
	_ =	sdelay $0x3  }
0x34: {  	[smem:$0x3FB3] =	sst s10  }
0x35: {  	s10 =	sld [smem:$0x3FB2];
	_ =	sdelay $0x3  }
0x36: {  	p1 =	seq.s32 s10, $0x1;
	s10 =	sld [smem:$0x3FB3];
	_ =	sdelay $0x3  }
0x37: {  	[smem:$0x3FB3] =	sst s10  }
0x38: {  	s10 =	sld [smem:$0x3FB4]  }
0x39: {  	_ = 	snop;
	(pc) =	sbr.ind lr, $3  }
0x3a: {  	_ = 	snop  }
0x3b: {  	_ = 	snop  }
0x3c: {  	p2 =	seq.s32 s10, $0x1;
	s10 =	sld [smem:$0x3FB3]  }
0x3d: {  	_ =	shalt  }
0x3e: {  	_ =	shalt  }
0x3f: {  	_ =	shalt  }
0x40: {  	_ =	shalt  }
0x41: {  	_ =	shalt  }
0x42: {  	_ =	shalt  }
0x43: {  	_ =	shalt  }
0x44: {  	_ =	shalt  }
0x45: {  	_ =	shalt  }
0x46: {  	_ =	shalt  }
0x47: {  	_ =	shalt  }
0x48: {  	_ =	shalt  }
0x49: {  	_ =	shalt  }
0x4a: {  	_ =	shalt  }
0x4b: {  	_ =	shalt  }
0x4c: {  	_ =	shalt  }
0x4d: {  	_ =	shalt  }
0x4e: {  	_ =	shalt  }
0x4f: {  	_ =	shalt  }
0x50: {  	_ =	shalt  }
0x51: {  	_ =	shalt  }
0x52: {  	_ =	shalt  }
0x53: {  	_ =	shalt  }
0x54: {  	_ =	shalt  }
0x55: {  	_ =	shalt  }
0x56: {  	_ =	shalt  }
0x57: {  	_ =	shalt  }
0x58: {  	_ =	shalt  }
0x59: {  	_ =	shalt  }
0x5a: {  	_ =	shalt  }
0x5b: {  	_ =	shalt  }
0x5c: {  	_ =	shalt  }
0x5d: {  	_ =	shalt  }
0x5e: {  	_ =	shalt  }
0x5f: {  	_ =	shalt  }
0x60: {  	_ =	shalt  }
0x61: {  	_ =	shalt  }
0x62: {  	_ =	shalt  }
0x63: {  	_ =	shalt  }
0x64: {  	_ =	shalt  }
0x65: {  	_ =	shalt  }
0x66: {  	_ =	shalt  }
0x67: {  	_ =	shalt  }
0x68: {  	_ =	shalt  }
0x69: {  	_ =	shalt  }
0x6a: {  	_ =	shalt  }
0x6b: {  	_ =	shalt  }
0x6c: {  	_ =	shalt  }
0x6d: {  	_ =	shalt  }
0x6e: {  	_ =	shalt  }
0x6f: {  	_ =	shalt  }
0x70: {  	_ =	shalt  }
0x71: {  	_ =	shalt  }
0x72: {  	_ =	shalt  }
0x73: {  	_ =	shalt  }
0x74: {  	_ =	shalt  }
0x75: {  	_ =	shalt  }
0x76: {  	_ =	shalt  }
0x77: {  	_ =	shalt  }
0x78: {  	_ =	shalt  }
0x79: {  	_ =	shalt  }
0x7a: {  	_ =	shalt  }
0x7b: {  	_ =	shalt  }
0x7c: {  	_ =	shalt  }
0x7d: {  	_ =	shalt  }
0x7e: {  	_ =	shalt  }
0x7f: {  	_ =	shalt  }
0x80: {  	_ =	shalt  }
0x81: {  	_ =	shalt  }
0x82: {  	_ =	shalt  }
0x83: {  	_ =	shalt  }
0x84: {  	_ =	shalt  }
0x85: {  	_ =	shalt  }
0x86: {  	_ =	shalt  }
0x87: {  	_ =	shalt  }
.Lfunc_end0:
.L_simem_size_0:
called_computation_lowered:
.L_overlay_start_0:
0x88: {  	s2 =	sld [smem:$0x3FD9]  }
0x89: {  	s3 =	sld [smem:$0x3FFE];
	_ =	sdelay $0x1  }
0x8a: {  	s1 =	srdreg.scid  }
0x8b: {  	s0 =	sand.u32 $0x1, s1  }
0x8c: {  	s17 =	sshll.u32 s0, $0xA;
	s2 =	sadd.s32 s3, s2  }
0x8d: {  	s2 =	sadd.s32 s2, s17  }
0x8e: {  	[smem:$0x3FBF] =	sst s2  }
0x8f: {  	_ = 	snop  }
0x90: {  	s2 =	sld [smem:$0x3FC9]  }
0x91: {  	s18 =	sld [smem:$0x3FC8]  }
0x92: {  	s4 =	sld [smem:$0x3FD0];
	(tm) =	ssettm $0x1  }
0x93: {  	s5 =	sld [smem:$0x3FFB];
	_ =	sdelay $0x3  }
0x94: {  	_ =	strace s5  }
0x95: {  	s5 =	sld [smem:$0x3FFC];
	_ =	sdelay $0x3  }
0x96: {  	_ =	strace s5  }
0x97: {  	s5 =	sld [smem:$0x3FFD];
	_ =	sdelay $0x3  }
0x98: {  	_ =	strace s5  }
0x99: {  	_ =	strace $0x8FFFFFFF  }
0x9a: {  	s19 =	sld [smem:$0x3FDB];
	_ =	sdelay $0x1  }
0x9b: {  	s6 =	simm.s32 $_scs_section_size  }
0x9c: {  	s7 =	simm.s32 $_size__tile_overlayer_lowered;
	s8 =	simm.s32 $_tile_overlayer_lowered  }
0x9d: {  	s22 =	simm.s32 $0x1BFF;
	s21 =	sshll.u32 s8, $0x1;
	s5 =	sadd.s32 s6, s19  }
0x9e: {  	s9 =	simm.s32 $0x0;
	s20 =	sshll.u32 s7, $0x1;
	s7 =	sadd.s32 s21, s5  }
0x9f: {  	[timem:s9], [sflag:s22] =	dma.local [hbm:s7], s20  }
0xa0: {  	_ =	swait.ge [sflag:s22], s20  }
0xa1: {  	s6 =	ssub.s32 $0x0, s20;
	[sflag:s22] =	ssyncset.done $0x0  }
0xa2: {  	[sflag:s22] =	ssyncadd.s32 s6;
	_ =	sdelay $0x1  }
0xa3: {  	s23 =	simm.s32 $0x1B8B  }
0xa4: {  	_ =	swait.ge [sflag:s23], $0x1  }
0xa5: {  	[sflag:s23] =	ssyncset.done $0x0  }
0xa6: {  	s25 =	simm.s32 $0x1B8E;
	s24 =	sld [smem:$0x3FFE];
	[sflag:s23] =	ssyncadd.s32 $0xFFFFFFFF  }
0xa7: {  	s26 =	simm.s32 $execute0_lowered;
	[smem:$0x3FD2] =	sst s25  }
0xa8: {  	s7 =	sshll.u32 s26, $0x1;
	_ =	strace $0x80000046;
	[dreg:$0x1] =	wrdreg $0xFFFFFFFF  }
0xa9: {  	s28 =	simm.s32 $_size_execute0_lowered;
	s5 =	sadd.s32 s5, s7;
	[dreg:$0x0] =	wrdreg $0x0  }
0xaa: {  	s7 =	sshll.u32 s28, $0x1;
	[dreg:$0x2] =	wrdreg s5  }
0xab: {  	[dreg:$0x3] =	wrdreg s7  }
0xac: {  	[dreg:$0x4] =	wrdreg $0xC0  }
0xad: {  	_ =	task [dreg:s9], $0x5FFFF  }
0xae: {  	[dreg:$0x1] =	wrdreg $0xFFFFFFFF  }
0xaf: {  	[dreg:$0x0] =	wrdreg $0x60  }
0xb0: {  	[dreg:$0x2] =	wrdreg s2  }
0xb1: {  	[dreg:$0x3] =	wrdreg s18  }
0xb2: {  	[dreg:$0x4] =	wrdreg s24  }
0xb3: {  	[dreg:$0x5] =	wrdreg s4  }
0xb4: {  	[dreg:$0x6] =	wrdreg $0x9  }
0xb5: {  	_ =	task.clear_ibuf [dreg:s9], $0x7FFFF;
	_ =	strace $0x90000046  }
0xb6: {  	s29 =	simm.s32 $0x9;
	_ =	strace $0x80000048  }
0xb7: {  	_ =	swait.ge [sflag:s29], $0x1  }
0xb8: {  	[sflag:s29] =	ssyncadd.s32 $0xFFFFFFFF  }
0xb9: {  	_ =	strace $0x90000048  }
0xba: {  	_ =	sfence  }
0xbb: {  	s30 =	sld [smem:$0x0];
	_ =	sdelay $0x2  }
0xbc: {  	s31 =	sshll.u32 s1, $0xD;
	s1 =	sshrl.u32 s1, $0x2  }
0xbd: {  	s3 =	sand.u32 $0x4000, s31;
	s1 =	sadd.s32 s1, s30  }
0xbe: {  	s0 =	sor.u32 s3, s0;
	s1 =	sshll.u32 s1, $0x11  }
0xbf: {  	s0 =	sor.u32 s1, s0  }
0xc0: {  	s0 =	sadd.s32 $0x8F2B, s0  }
0xc1: {  	[sflag:s0] =	ssyncadd.remote.s32 $0x1  }
0xc2: {  	_ =	sfence.sel $0xFFFF  }
0xc3: {  	[dreg:$0x0] =	wrdreg $0xFFFFFFFF;
	(pc) =	sbr.abs _section_cstart, $3  }
0xc4: {  	[dreg:$0x1] =	wrdreg $0xFFFFFFFF  }
0xc5: {  	_ =	task.clear_ibuf [dreg:s9], $0x2FFFF;
	_ =	strace $0x9FFFFFFF  }
0xc6: {  	(tm) =	ssettm $0x7FFFFFFF  }
0xc7: {  	_ =	shalt  }
tec
execute0_lowered:
.L_overlay_start_1:
0x0: {  	(tag) =	ssettag $0x1  }
0x1: {  	s0 =	rddreg [dreg:$0x0]  }
0x2: {  	s1 =	rddreg [dreg:$0x1]  }
0x3: {  	s5 =	rddreg [dreg:$0x2]  }
0x4: {  	s10 =	rddreg [dreg:$0x3];
	s3 =	srdreg.scid  }
0x5: {  	s2 =	simm.s32 $0x0;
	s4 =	stileid.u32;
	s13 =	simm.s32 $0x200  }
0x6: {  	s16 =	simm.s32 $0x80;
	s17 =	simm.s32 $0x400;
	s19 =	simm.s32 $0x100  }
0x7: {  	s20 =	simm.s32 $0x2400;
	s21 =	simm.s32 $0x180;
	s22 =	simm.s32 $0x3400  }
0x8: {  	s23 =	simm.s32 $0x4400;
	s24 =	simm.s32 $0x280;
	s25 =	simm.s32 $0x5400  }
0x9: {  	s28 =	simm.s32 $0x6400;
	s29 =	simm.s32 $0x380;
	s30 =	simm.s32 $0x7400  }
0xa: {  	s31 =	simm.s32 $0x1;
	s3 =	sand.u32 $0x1, s3;
	[smem:$0x7FF] =	sst s2  }
0xb: {  	s4 =	sshll.u32 s4, $0x7;
	s6 =	sshll.u32 s3, $0x6;
	_ =	strace $0x80000047  }
0xc: {  	s26 =	ssub.s32 $0x2, s3;
	s3 =	sadd.s32 $0x800, s5;
	s11 =	sor.u32 s6, s4  }
0xd: {  	s7 =	sshrl.u32 s26, $0x1;
	s4 =	sadd.s32 $0x1313E00, s5;
	s9 =	sadd.s32 s11, s5  }
0xe: {  	s5 =	sadd.s32 $0xF43400, s5;
	s12 =	ssub.s32 s26, s7;
	s6 =	sadd.s32 s0, s11  }
0xf: {  	v0 =	vlaneseq.u32;
	s7 =	sadd.s32 s1, s11;
	s10 =	sadd.s32 s10, s11;
	s26 =	simm.s32 $0x300  }
0x10: {  	v0 =	vmul.u32 $0x20, v0;
	s0 =	simm.s32 $0x8A30;
	s1 =	simm.s32 $0x0;
	s8 =	sadd.s32 $0x1000, s9  }
0x11: {  	s9 =	sadd.s32 $0x1800, s9;
	s11 =	smax.u32 s12, $0x1;
	s12 =	simm.s32 $0x2  }
.LBB2_1:
0x12: {  	[tilespmem:s2], [sflag:$0x2] =	stream.linear.gather [hbm4b:s6+s2], $0x200, $0x38;
	[tilespmem:$0x8C30] =	vst v63  }
0x13: {  	_ =	swait.ge [sflag:s12], $0x200  }
0x14: {  	[sflag:s12] =	ssyncset.done $0x0  }
0x15: {  	[sflag:s12] =	ssyncadd.s32 $0xFFFFFE00  }
0x16: {  	[tilespmem:s13], [sflag:$0x2] =	stream.linear.gather [hbm4b:s7+s2], $0x200, $0x38;
	[tilespmem:$0x8C30] =	vst v63  }
0x17: {  	_ =	swait.ge [sflag:s12], $0x200  }
0x18: {  	[sflag:s12] =	ssyncset.done $0x0  }
0x19: {  	s14 =	simm.s32 $0x8400;
	[sflag:s12] =	ssyncadd.s32 $0xFFFFFE00  }
0x1a: {  	[tilespmem:s14], [sflag:$0x2] =	stream.linear.gather [hbm4b:s8+s2], $0x200, $0x38;
	[tilespmem:$0x8C30] =	vst v63  }
0x1b: {  	_ =	swait.ge [sflag:s12], $0x200  }
0x1c: {  	[sflag:s12] =	ssyncset.done $0x0  }
0x1d: {  	s14 =	simm.s32 $0x8600;
	[sflag:s12] =	ssyncadd.s32 $0xFFFFFE00  }
0x1e: {  	[tilespmem:s14], [sflag:$0x2] =	stream.linear.gather [hbm4b:s9+s2], $0x200, $0x38;
	[tilespmem:$0x8C30] =	vst v63  }
0x1f: {  	_ =	swait.ge [sflag:s12], $0x200  }
0x20: {  	[sflag:s12] =	ssyncset.done $0x0  }
0x21: {  	s15 =	simm.s32 $0x8800;
	[sflag:s12] =	ssyncadd.s32 $0xFFFFFE00  }
0x22: {  	[tilespmem:s15], [sflag:$0x2] =	stream.linear.gather [hbm4b:s3+s2], $0x230, $0x38;
	[tilespmem:$0x8C30] =	vst v63  }
0x23: {  	_ =	swait.ge [sflag:s12], $0x230  }
0x24: {  	[sflag:s12] =	ssyncset.done $0x0  }
0x25: {  	[sflag:s12] =	ssyncadd.s32 $0xFFFFFDD0  }
0x26: {  	[tilespmem:s17], [sflag:$0x1] =	stream.indirect.gather [hbm4b:s4+s16], $0x20, s2, s16, $0xb8;
	[tilespmem:$0x8C30] =	vst v63  }
0x27: {  	s18 =	simm.s32 $0x1400  }
0x28: {  	[tilespmem:s18], [sflag:$0x1] =	stream.indirect.gather [hbm4b:s4+s16], $0x20, s16, s16, $0xb8;
	[tilespmem:$0x8C30] =	vst v63  }
0x29: {  	_ = 	snop  }
0x2a: {  	[tilespmem:s20], [sflag:$0x1] =	stream.indirect.gather [hbm4b:s4+s16], $0x20, s19, s16, $0xb8;
	[tilespmem:$0x8C30] =	vst v63  }
0x2b: {  	_ = 	snop  }
0x2c: {  	[tilespmem:s22], [sflag:$0x1] =	stream.indirect.gather [hbm4b:s4+s16], $0x20, s21, s16, $0xb8;
	[tilespmem:$0x8C30] =	vst v63  }
0x2d: {  	_ = 	snop  }
0x2e: {  	[tilespmem:s23], [sflag:$0x1] =	stream.indirect.gather [hbm4b:s5+s16], $0x20, s13, s16, $0xb8;
	[tilespmem:$0x8C30] =	vst v63  }
0x2f: {  	_ = 	snop  }
0x30: {  	[tilespmem:s25], [sflag:$0x1] =	stream.indirect.gather [hbm4b:s5+s16], $0x20, s24, s16, $0xb8;
	[tilespmem:$0x8C30] =	vst v63  }
0x31: {  	_ = 	snop  }
0x32: {  	[tilespmem:s28], [sflag:$0x1] =	stream.indirect.gather [hbm4b:s5+s16], $0x20, s26, s16, $0xb8;
	[tilespmem:$0x8C30] =	vst v63  }
0x33: {  	_ = 	snop  }
0x34: {  	[tilespmem:s30], [sflag:$0x1] =	stream.indirect.gather [hbm4b:s5+s16], $0x20, s29, s16, $0xb8;
	[tilespmem:$0x8C30] =	vst v63  }
0x35: {  	_ =	swait.ge [sflag:s31], $0x1000  }
0x36: {  	[sflag:s31] =	ssyncset.done $0x0  }
0x37: {  	[sflag:s31] =	ssyncadd.s32 $0xFFFFF000  }
0x38: {  	_ =	swait.ge [sflag:s31], $0x1000  }
0x39: {  	[sflag:s31] =	ssyncset.done $0x0  }
0x3a: {  	[sflag:s31] =	ssyncadd.s32 $0xFFFFF000  }
0x3b: {  	_ =	swait.ge [sflag:s31], $0x1000  }
0x3c: {  	[sflag:s31] =	ssyncset.done $0x0  }
0x3d: {  	[sflag:s31] =	ssyncadd.s32 $0xFFFFF000  }
0x3e: {  	_ =	swait.ge [sflag:s31], $0x1000  }
0x3f: {  	[sflag:s31] =	ssyncset.done $0x0  }
0x40: {  	[sflag:s31] =	ssyncadd.s32 $0xFFFFF000  }
0x41: {  	_ =	swait.ge [sflag:s31], $0x1000  }
0x42: {  	[sflag:s31] =	ssyncset.done $0x0  }
0x43: {  	[sflag:s31] =	ssyncadd.s32 $0xFFFFF000  }
0x44: {  	_ =	swait.ge [sflag:s31], $0x1000  }
0x45: {  	[sflag:s31] =	ssyncset.done $0x0  }
0x46: {  	[sflag:s31] =	ssyncadd.s32 $0xFFFFF000  }
0x47: {  	_ =	swait.ge [sflag:s31], $0x1000  }
0x48: {  	[sflag:s31] =	ssyncset.done $0x0  }
0x49: {  	[sflag:s31] =	ssyncadd.s32 $0xFFFFF000  }
0x4a: {  	_ =	swait.ge [sflag:s31], $0x1000  }
0x4b: {  	[sflag:s31] =	ssyncset.done $0x0  }
0x4c: {  	[sflag:s31] =	ssyncadd.s32 $0xFFFFF000  }
0x4d: {  	v4 =	vld [tilespmem:$0x8A00]  }
0x4e: {  	v2 =	vld [tilespmem:$0x8A10]  }
0x4f: {  	v3 =	vld [tilespmem:$0x8A20]  }
0x50: {  	v1 =	vld [tilespmem:$0x8800]  }
0x51: {  	v22 =	vld [tilespmem:$0x89D0]  }
0x52: {  	v20 =	vld [tilespmem:$0x89C0]  }
0x53: {  	v18 =	vld [tilespmem:$0x89B0]  }
0x54: {  	v16 =	vld [tilespmem:$0x89A0]  }
0x55: {  	v14 =	vld [tilespmem:$0x8990]  }
0x56: {  	v12 =	vld [tilespmem:$0x8980]  }
0x57: {  	v10 =	vld [tilespmem:$0x8970]  }
0x58: {  	v8 =	vld [tilespmem:$0x8960]  }
0x59: {  	v5 =	vld [tilespmem:$0x8950]  }
0x5a: {  	v6 =	vld [tilespmem:$0x8940]  }
0x5b: {  	v7 =	vld [tilespmem:$0x8930]  }
0x5c: {  	v9 =	vld [tilespmem:$0x8920]  }
0x5d: {  	v11 =	vld [tilespmem:$0x8910]  }
0x5e: {  	v13 =	vld [tilespmem:$0x8900]  }
0x5f: {  	v15 =	vld [tilespmem:$0x88F0]  }
0x60: {  	v19 =	vld [tilespmem:$0x88E0]  }
0x61: {  	v21 =	vld [tilespmem:$0x88D0]  }
0x62: {  	v23 =	vld [tilespmem:$0x88C0]  }
0x63: {  	v24 =	vld [tilespmem:$0x88B0]  }
0x64: {  	v25 =	vld [tilespmem:$0x88A0]  }
0x65: {  	v26 =	vld [tilespmem:$0x8890]  }
0x66: {  	v27 =	vld [tilespmem:$0x8880]  }
0x67: {  	v28 =	vld [tilespmem:$0x8870]  }
0x68: {  	v29 =	vld [tilespmem:$0x8860]  }
0x69: {  	v17 =	vmov s2;
	v30 =	vld [tilespmem:$0x8850]  }
0x6a: {  	v17 =	vshll.u32 v17, $0x5;
	v31 =	vld [tilespmem:$0x8840]  }
0x6b: {  	v17 =	vor.u32 v0, v17;
	v32 =	vld [tilespmem:$0x8830]  }
0x6c: {  	v33 =	vld [tilespmem:$0x8820]  }
0x6d: {  	v35 =	vor.u32 $0x1, v17;
	v34 =	vld [tilespmem:$0x8810]  }
0x6e: {  	v36 =	vld [tilespmem:s14+$0x0]  }
0x6f: {  	v38 =	vor.u32 $0x2, v17;
	v37 =	vld [tilespmem:s14+$0xFFFFFE00]  }
0x70: {  	v39 =	vld.idx.msk [tilespmem:v17+s17+$0x0], $0xffff  }
0x71: {  	v41 =	vor.u32 $0x3, v17;
	v40 =	vld.idx.msk [tilespmem:v17+s23+$0x0], $0xffff  }
0x72: {  	v42 =	vld.idx.msk [tilespmem:v35+s17+$0x0], $0xffff  }
0x73: {  	v43 =	vor.u32 $0x4, v17;
	v35 =	vld.idx.msk [tilespmem:v35+s23+$0x0], $0xffff  }
0x74: {  	v44 =	vld.idx.msk [tilespmem:v38+s17+$0x0], $0xffff  }
0x75: {  	v45 =	vor.u32 $0x5, v17;
	v38 =	vld.idx.msk [tilespmem:v38+s23+$0x0], $0xffff  }
0x76: {  	v46 =	vld.idx.msk [tilespmem:v41+s17+$0x0], $0xffff  }
0x77: {  	v47 =	vor.u32 $0x6, v17;
	v41 =	vld.idx.msk [tilespmem:v41+s23+$0x0], $0xffff  }
0x78: {  	v48 =	vld.idx.msk [tilespmem:v43+s17+$0x0], $0xffff  }
0x79: {  	v49 =	vor.u32 $0x7, v17;
	v43 =	vld.idx.msk [tilespmem:v43+s23+$0x0], $0xffff  }
0x7a: {  	v50 =	vld.idx.msk [tilespmem:v45+s17+$0x0], $0xffff  }
0x7b: {  	v51 =	vor.u32 $0x8, v17;
	v45 =	vld.idx.msk [tilespmem:v45+s23+$0x0], $0xffff  }
0x7c: {  	v52 =	vld.idx.msk [tilespmem:v47+s17+$0x0], $0xffff  }
0x7d: {  	v53 =	vor.u32 $0x9, v17;
	v47 =	vld.idx.msk [tilespmem:v47+s23+$0x0], $0xffff  }
0x7e: {  	v54 =	vld.idx.msk [tilespmem:v49+s17+$0x0], $0xffff  }
0x7f: {  	v55 =	vor.u32 $0xA, v17;
	v49 =	vld.idx.msk [tilespmem:v49+s23+$0x0], $0xffff  }
0x80: {  	v56 =	vld.idx.msk [tilespmem:v51+s17+$0x0], $0xffff  }
0x81: {  	v57 =	vor.u32 $0xB, v17;
	v51 =	vld.idx.msk [tilespmem:v51+s23+$0x0], $0xffff  }
0x82: {  	v58 =	vld.idx.msk [tilespmem:v53+s17+$0x0], $0xffff  }
0x83: {  	v59 =	vor.u32 $0xC, v17;
	v53 =	vld.idx.msk [tilespmem:v53+s23+$0x0], $0xffff  }
0x84: {  	v60 =	vld.idx.msk [tilespmem:v55+s17+$0x0], $0xffff  }
0x85: {  	v61 =	vor.u32 $0xD, v17;
	v55 =	vld.idx.msk [tilespmem:v55+s23+$0x0], $0xffff;
	v37 =	vmul.f32 v37, v4  }
0x86: {  	v39 =	vmul.f32 v40, v39;
	v40 =	vld.idx.msk [tilespmem:v57+s17+$0x0], $0xffff;
	v35 =	vmul.f32 v35, v42;
	v42 =	vor.u32 $0xF, v17  }
0x87: {  	v36 =	vmul.f32 v36, v2;
	v57 =	vld.idx.msk [tilespmem:v57+s23+$0x0], $0xffff;
	v37 =	vadd.f32 v37, v3  }
0x88: {  	v63 =	vmul.f32 v39, v1;
	v39 =	vld.idx.msk [tilespmem:v59+s17+$0x0], $0xffff  }
0x89: {  	v62 =	vor.u32 $0xE, v17;
	v59 =	vld.idx.msk [tilespmem:v59+s23+$0x0], $0xffff;
	v36 =	vadd.f32 v36, v37  }
0x8a: {  	v34 =	vmul.f32 v35, v34;
	v37 =	vld.idx.msk [tilespmem:v61+s17+$0x0], $0xffff  }
0x8b: {  	v35 =	vld.idx.msk [tilespmem:v42+s17+$0x0], $0xffff;
	v36 =	vadd.f32 v63, v36;
	v63 =	vmul.f32 v38, v44;
	v38 =	vor.u32 $0x10, v17  }
0x8c: {  	v44 =	vld.idx.msk [tilespmem:v61+s23+$0x0], $0xffff;
	v61 =	vor.u32 $0x12, v17  }
0x8d: {  	v42 =	vld.idx.msk [tilespmem:v42+s23+$0x0], $0xffff;
	v34 =	vadd.f32 v34, v36;
	v33 =	vmul.f32 v63, v33;
	v63 =	vmul.f32 v41, v46  }
0x8e: {  	v36 =	vld.idx.msk [tilespmem:v62+s17+$0x0], $0xffff;
	v41 =	vor.u32 $0x11, v17  }
0x8f: {  	v48 =	vmul.f32 v43, v48;
	v46 =	vld.idx.msk [tilespmem:v62+s23+$0x0], $0xffff;
	v33 =	vadd.f32 v33, v34;
	v32 =	vmul.f32 v63, v32  }
0x90: {  	v62 =	vmul.f32 v45, v50;
	v50 =	vmul.f32 v47, v52;
	v52 =	vor.u32 $0x14, v17;
	v34 =	vld.idx.msk [tilespmem:v38+s17+$0x0], $0xffff  }
0x91: {  	v31 =	vmul.f32 v48, v31;
	v38 =	vld.idx.msk [tilespmem:v38+s23+$0x0], $0xffff;
	v32 =	vadd.f32 v32, v33  }
0x92: {  	v63 =	vor.u32 $0x13, v17;
	v43 =	vld.idx.msk [tilespmem:v61+s23+$0x0], $0xffff  }
0x93: {  	v30 =	vmul.f32 v62, v30;
	v33 =	vld.idx.msk [tilespmem:v41+s17+$0x0], $0xffff;
	v31 =	vadd.f32 v31, v32  }
0x94: {  	v62 =	vor.u32 $0x17, v17;
	v41 =	vld.idx.msk [tilespmem:v41+s23+$0x0], $0xffff  }
0x95: {  	v29 =	vmul.f32 v50, v29;
	v47 =	vld.idx.msk [tilespmem:v52+s23+$0x0], $0xffff;
	v30 =	vadd.f32 v30, v31;
	v31 =	vmul.f32 v49, v54  }
0x96: {  	v32 =	vld.idx.msk [tilespmem:v61+s17+$0x0], $0xffff;
	v61 =	vor.u32 $0x16, v17;
	v54 =	vor.u32 $0x15, v17  }
0x97: {  	v45 =	vld.idx.msk [tilespmem:v63+s23+$0x0], $0xffff;
	v29 =	vadd.f32 v29, v30;
	v28 =	vmul.f32 v31, v28;
	v30 =	vmul.f32 v51, v56  }
0x98: {  	v31 =	vld.idx.msk [tilespmem:v63+s17+$0x0], $0xffff;
	v63 =	vor.u32 $0x18, v17  }
0x99: {  	v50 =	vld.idx.msk [tilespmem:v62+s23+$0x0], $0xffff;
	v28 =	vadd.f32 v28, v29;
	v27 =	vmul.f32 v30, v27;
	v29 =	vmul.f32 v53, v58  }
0x9a: {  	v30 =	vld.idx.msk [tilespmem:v52+s17+$0x0], $0xffff;
	v52 =	vor.u32 $0x19, v17  }
0x9b: {  	v49 =	vld.idx.msk [tilespmem:v61+s23+$0x0], $0xffff;
	v27 =	vadd.f32 v27, v28;
	v26 =	vmul.f32 v29, v26;
	v28 =	vmul.f32 v55, v60  }
0x9c: {  	v58 =	vor.u32 $0x1E, v17;
	v48 =	vld.idx.msk [tilespmem:v54+s23+$0x0], $0xffff  }
0x9d: {  	v29 =	vld.idx.msk [tilespmem:v54+s17+$0x0], $0xffff;
	v26 =	vadd.f32 v26, v27;
	v25 =	vmul.f32 v28, v25;
	v27 =	vmul.f32 v57, v40  }
0x9e: {  	v56 =	vor.u32 $0x1C, v17;
	v53 =	vor.u32 $0x1A, v17;
	v55 =	vld.idx.msk [tilespmem:v63+s23+$0x0], $0xffff  }
0x9f: {  	v28 =	vld.idx.msk [tilespmem:v61+s17+$0x0], $0xffff;
	v25 =	vadd.f32 v25, v26;
	v24 =	vmul.f32 v27, v24;
	v26 =	vmul.f32 v59, v39  }
0xa0: {  	v54 =	vor.u32 $0x1B, v17;
	v40 =	vld.idx.msk [tilespmem:v52+s23+$0x0], $0xffff  }
0xa1: {  	v61 =	vld.idx.msk [tilespmem:v58+s17+$0x0], $0xffff;
	v24 =	vadd.f32 v24, v25;
	v23 =	vmul.f32 v26, v23;
	v25 =	vmul.f32 v44, v37  }
0xa2: {  	v27 =	vld.idx.msk [tilespmem:v62+s17+$0x0], $0xffff  }
0xa3: {  	v39 =	vld.idx.msk [tilespmem:v53+s23+$0x0], $0xffff;
	v23 =	vadd.f32 v23, v24;
	v21 =	vmul.f32 v25, v21;
	v24 =	vmul.f32 v46, v36  }
0xa4: {  	v57 =	vor.u32 $0x1D, v17;
	v59 =	vld.idx.msk [tilespmem:v56+s23+$0x0], $0xffff  }
0xa5: {  	v26 =	vld.idx.msk [tilespmem:v63+s17+$0x0], $0xffff;
	v21 =	vadd.f32 v21, v23;
	v19 =	vmul.f32 v24, v19;
	v23 =	vmul.f32 v42, v35  }
0xa6: {  	v17 =	vor.u32 $0x1F, v17;
	v37 =	vld.idx.msk [tilespmem:v54+s23+$0x0], $0xffff  }
0xa7: {  	v25 =	vld.idx.msk [tilespmem:v52+s17+$0x0], $0xffff;
	v19 =	vadd.f32 v19, v21;
	v15 =	vmul.f32 v23, v15;
	v23 =	vmul.f32 v38, v34  }
0xa8: {  	v63 =	vld [tilespmem:$0x89E0]  }
0xa9: {  	v24 =	vld.idx.msk [tilespmem:v53+s17+$0x0], $0xffff;
	v15 =	vadd.f32 v15, v19;
	v13 =	vmul.f32 v23, v13;
	v23 =	vmul.f32 v41, v33  }
0xaa: {  	v60 =	vld.idx.msk [tilespmem:v57+s17+$0x0], $0xffff  }
0xab: {  	v21 =	vld.idx.msk [tilespmem:v54+s17+$0x0], $0xffff;
	v13 =	vadd.f32 v13, v15;
	v11 =	vmul.f32 v23, v11;
	v15 =	vmul.f32 v43, v32  }
0xac: {  	v62 =	vld.idx.msk [tilespmem:v17+s17+$0x0], $0xffff;
	v25 =	vmul.f32 v40, v25  }
0xad: {  	v19 =	vld.idx.msk [tilespmem:v56+s17+$0x0], $0xffff;
	v11 =	vadd.f32 v11, v13;
	v9 =	vmul.f32 v15, v9;
	v13 =	vmul.f32 v45, v31  }
0xae: {  	v25 =	vmul.f32 v25, v14;
	v24 =	vmul.f32 v39, v24;
	v14 =	vld [tilespmem:$0x8940]  }
0xaf: {  	v23 =	vld.idx.msk [tilespmem:v57+s23+$0x0], $0xffff;
	v9 =	vadd.f32 v9, v11;
	v7 =	vmul.f32 v13, v7;
	v11 =	vmul.f32 v47, v30  }
0xb0: {  	v24 =	vmul.f32 v24, v16;
	v21 =	vmul.f32 v37, v21;
	v16 =	vld [tilespmem:$0x8920]  }
0xb1: {  	v31 =	vld.idx.msk [tilespmem:v58+s23+$0x0], $0xffff;
	v7 =	vadd.f32 v7, v9;
	v9 =	vmul.f32 v11, v6;
	v11 =	vmul.f32 v48, v29  }
0xb2: {  	v15 =	vmul.f32 v50, v27;
	v21 =	vmul.f32 v21, v18;
	v18 =	vld [tilespmem:$0x8900]  }
0xb3: {  	v30 =	vld.idx.msk [tilespmem:v17+s23+$0x0], $0xffff;
	v13 =	vmul.f32 v49, v28;
	v9 =	vadd.f32 v9, v7;
	v11 =	vmul.f32 v11, v5  }
0xb4: {  	v15 =	vmul.f32 v15, v10;
	v10 =	vld [tilespmem:$0x8980]  }
0xb5: {  	v29 =	vld [tilespmem:$0x89F0];
	v13 =	vmul.f32 v13, v8;
	v11 =	vadd.f32 v11, v9  }
0xb6: {  	v17 =	vmul.f32 v55, v26;
	v6 =	vld [tilespmem:$0x89D0]  }
0xb7: {  	v8 =	vld [tilespmem:$0x89A0];
	v13 =	vadd.f32 v13, v11  }
0xb8: {  	v17 =	vmul.f32 v17, v12;
	v12 =	vld [tilespmem:$0x8960]  }
0xb9: {  	v26 =	vmul.f32 v31, v61;
	v5 =	vld [tilespmem:$0x89C0];
	v15 =	vadd.f32 v15, v13  }
0xba: {  	v7 =	vld [tilespmem:$0x89B0]  }
0xbb: {  	v27 =	vmul.f32 v26, v63;
	v26 =	vld [tilespmem:$0x8890];
	v17 =	vadd.f32 v17, v15  }
0xbc: {  	v28 =	vmul.f32 v30, v62;
	v30 =	vld [tilespmem:$0x8850]  }
0xbd: {  	v9 =	vld [tilespmem:$0x8990];
	v25 =	vadd.f32 v25, v17  }
0xbe: {  	v29 =	vmul.f32 v28, v29;
	v28 =	vld [tilespmem:$0x8870]  }
0xbf: {  	v11 =	vld [tilespmem:$0x8970];
	v24 =	vadd.f32 v24, v25;
	v25 =	vmul.f32 v59, v19  }
0xc0: {  	v13 =	vld [tilespmem:$0x8950]  }
0xc1: {  	v23 =	vmul.f32 v23, v60;
	v15 =	vld [tilespmem:$0x8930];
	v24 =	vadd.f32 v21, v24;
	v25 =	vmul.f32 v25, v20  }
0xc2: {  	v17 =	vld [tilespmem:$0x8910]  }
0xc3: {  	v19 =	vld [tilespmem:$0x88F0];
	v24 =	vadd.f32 v25, v24;
	v25 =	vmul.f32 v23, v22  }
0xc4: {  	v20 =	vld [tilespmem:$0x88E0]  }
0xc5: {  	v21 =	vld [tilespmem:$0x88D0];
	v25 =	vadd.f32 v25, v24  }
0xc6: {  	v22 =	vld [tilespmem:$0x88C0]  }
0xc7: {  	v23 =	vld [tilespmem:$0x88B0];
	v25 =	vadd.f32 v27, v25  }
0xc8: {  	v24 =	vld [tilespmem:$0x88A0]  }
0xc9: {  	s18 =	simm.s32 $0x10;
	v27 =	vld [tilespmem:$0x8880];
	v25 =	vadd.f32 v29, v25  }
0xca: {  	v31 =	vmov s18;
	v29 =	vld [tilespmem:$0x8860]  }
0xcb: {  	s15 =	simm.s32 $0x8A30;
	s18 =	simm.s32 $0x20;
	[tilespmem:s0+$0x0] =	vst v25;
	v25 =	vshll.u32 v31, $0x5;
	v31 =	vld [tilespmem:$0x8840]  }
.LBB2_2:
0xcc: {  	p0 =	sne.s32 s18, $0x1F0;
	v25 =	vor.u32 v0, v25;
	v32 =	vld [tilespmem:$0x8830]  }
0xcd: {  	v33 =	vld [tilespmem:$0x8820]  }
0xce: {  	s14 =	sadd.s32 $0x10, s14;
	v35 =	vor.u32 $0x1, v25;
	v34 =	vld [tilespmem:$0x8810]  }
0xcf: {  	v36 =	vld [tilespmem:s14+$0x0]  }
0xd0: {  	v38 =	vor.u32 $0x2, v25;
	v37 =	vld [tilespmem:s14+$0xFFFFFE00]  }
0xd1: {  	v39 =	vld.idx.msk [tilespmem:v25+s17+$0x0], $0xffff  }
0xd2: {  	v41 =	vor.u32 $0x3, v25;
	v40 =	vld.idx.msk [tilespmem:v25+s23+$0x0], $0xffff  }
0xd3: {  	v42 =	vld.idx.msk [tilespmem:v35+s17+$0x0], $0xffff  }
0xd4: {  	v43 =	vor.u32 $0x4, v25;
	v35 =	vld.idx.msk [tilespmem:v35+s23+$0x0], $0xffff  }
0xd5: {  	v44 =	vld.idx.msk [tilespmem:v38+s17+$0x0], $0xffff  }
0xd6: {  	v45 =	vor.u32 $0x5, v25;
	v37 =	vmul.f32 v37, v4;
	v38 =	vld.idx.msk [tilespmem:v38+s23+$0x0], $0xffff  }
0xd7: {  	v47 =	vor.u32 $0x6, v25;
	v46 =	vld.idx.msk [tilespmem:v41+s17+$0x0], $0xffff  }
0xd8: {  	v36 =	vmul.f32 v36, v2;
	v37 =	vadd.f32 v37, v3;
	v39 =	vmul.f32 v40, v39;
	v40 =	vld.idx.msk [tilespmem:v41+s23+$0x0], $0xffff  }
0xd9: {  	v48 =	vor.u32 $0x7, v25;
	v41 =	vld.idx.msk [tilespmem:v43+s17+$0x0], $0xffff  }
0xda: {  	v36 =	vadd.f32 v36, v37;
	v37 =	vmul.f32 v39, v1;
	v35 =	vmul.f32 v35, v42;
	v39 =	vld.idx.msk [tilespmem:v43+s23+$0x0], $0xffff  }
0xdb: {  	v43 =	vor.u32 $0x8, v25;
	v42 =	vld.idx.msk [tilespmem:v45+s17+$0x0], $0xffff  }
0xdc: {  	v36 =	vadd.f32 v37, v36;
	v34 =	vmul.f32 v35, v34;
	v35 =	vmul.f32 v38, v44;
	v37 =	vld.idx.msk [tilespmem:v45+s23+$0x0], $0xffff  }
0xdd: {  	v44 =	vor.u32 $0x9, v25;
	v38 =	vld.idx.msk [tilespmem:v47+s17+$0x0], $0xffff  }
0xde: {  	v34 =	vadd.f32 v34, v36;
	v33 =	vmul.f32 v35, v33;
	v35 =	vmul.f32 v40, v46;
	v36 =	vld.idx.msk [tilespmem:v47+s23+$0x0], $0xffff  }
0xdf: {  	v45 =	vor.u32 $0xA, v25;
	v40 =	vld.idx.msk [tilespmem:v48+s17+$0x0], $0xffff  }
0xe0: {  	v33 =	vadd.f32 v33, v34;
	v32 =	vmul.f32 v35, v32;
	v34 =	vmul.f32 v39, v41;
	v35 =	vld.idx.msk [tilespmem:v48+s23+$0x0], $0xffff  }
0xe1: {  	v41 =	vor.u32 $0xB, v25;
	v39 =	vld.idx.msk [tilespmem:v43+s17+$0x0], $0xffff  }
0xe2: {  	v32 =	vadd.f32 v32, v33;
	v31 =	vmul.f32 v34, v31;
	v33 =	vmul.f32 v37, v42;
	v34 =	vld.idx.msk [tilespmem:v43+s23+$0x0], $0xffff  }
0xe3: {  	v42 =	vor.u32 $0xC, v25;
	v37 =	vld.idx.msk [tilespmem:v44+s17+$0x0], $0xffff  }
0xe4: {  	v31 =	vadd.f32 v31, v32;
	v30 =	vmul.f32 v33, v30;
	v32 =	vmul.f32 v36, v38;
	v33 =	vld.idx.msk [tilespmem:v44+s23+$0x0], $0xffff  }
0xe5: {  	v38 =	vor.u32 $0xD, v25;
	v36 =	vld.idx.msk [tilespmem:v45+s17+$0x0], $0xffff  }
0xe6: {  	v30 =	vadd.f32 v30, v31;
	v29 =	vmul.f32 v32, v29;
	v31 =	vmul.f32 v35, v40;
	v32 =	vld.idx.msk [tilespmem:v45+s23+$0x0], $0xffff  }
0xe7: {  	v40 =	vor.u32 $0xE, v25;
	v35 =	vld.idx.msk [tilespmem:v41+s17+$0x0], $0xffff  }
0xe8: {  	v29 =	vadd.f32 v29, v30;
	v28 =	vmul.f32 v31, v28;
	v30 =	vmul.f32 v34, v39;
	v31 =	vld.idx.msk [tilespmem:v41+s23+$0x0], $0xffff  }
0xe9: {  	v39 =	vor.u32 $0xF, v25;
	v34 =	vld.idx.msk [tilespmem:v42+s17+$0x0], $0xffff  }
0xea: {  	v28 =	vadd.f32 v28, v29;
	v27 =	vmul.f32 v30, v27;
	v29 =	vmul.f32 v33, v37;
	v30 =	vld.idx.msk [tilespmem:v42+s23+$0x0], $0xffff  }
0xeb: {  	v37 =	vor.u32 $0x10, v25;
	v33 =	vld.idx.msk [tilespmem:v38+s17+$0x0], $0xffff  }
0xec: {  	v27 =	vadd.f32 v27, v28;
	v26 =	vmul.f32 v29, v26;
	v28 =	vmul.f32 v32, v36;
	v29 =	vld.idx.msk [tilespmem:v38+s23+$0x0], $0xffff  }
0xed: {  	v36 =	vor.u32 $0x11, v25;
	v32 =	vld.idx.msk [tilespmem:v40+s17+$0x0], $0xffff  }
0xee: {  	v26 =	vadd.f32 v26, v27;
	v24 =	vmul.f32 v28, v24;
	v27 =	vmul.f32 v31, v35;
	v28 =	vld.idx.msk [tilespmem:v40+s23+$0x0], $0xffff  }
0xef: {  	v35 =	vor.u32 $0x12, v25;
	v31 =	vld.idx.msk [tilespmem:v39+s17+$0x0], $0xffff  }
0xf0: {  	v24 =	vadd.f32 v24, v26;
	v23 =	vmul.f32 v27, v23;
	v26 =	vmul.f32 v30, v34;
	v27 =	vld.idx.msk [tilespmem:v39+s23+$0x0], $0xffff  }
0xf1: {  	v34 =	vor.u32 $0x13, v25;
	v30 =	vld.idx.msk [tilespmem:v37+s17+$0x0], $0xffff  }
0xf2: {  	v23 =	vadd.f32 v23, v24;
	v22 =	vmul.f32 v26, v22;
	v24 =	vmul.f32 v29, v33;
	v26 =	vld.idx.msk [tilespmem:v37+s23+$0x0], $0xffff  }
0xf3: {  	v33 =	vor.u32 $0x14, v25;
	v29 =	vld.idx.msk [tilespmem:v36+s17+$0x0], $0xffff  }
0xf4: {  	v22 =	vadd.f32 v22, v23;
	v21 =	vmul.f32 v24, v21;
	v23 =	vmul.f32 v28, v32;
	v24 =	vld.idx.msk [tilespmem:v36+s23+$0x0], $0xffff  }
0xf5: {  	v32 =	vor.u32 $0x15, v25;
	v28 =	vld.idx.msk [tilespmem:v35+s17+$0x0], $0xffff  }
0xf6: {  	v21 =	vadd.f32 v21, v22;
	v20 =	vmul.f32 v23, v20;
	v22 =	vmul.f32 v27, v31;
	v23 =	vld.idx.msk [tilespmem:v35+s23+$0x0], $0xffff  }
0xf7: {  	v31 =	vor.u32 $0x16, v25;
	v27 =	vld.idx.msk [tilespmem:v34+s17+$0x0], $0xffff  }
0xf8: {  	v20 =	vadd.f32 v20, v21;
	v19 =	vmul.f32 v22, v19;
	v21 =	vmul.f32 v26, v30;
	v22 =	vld.idx.msk [tilespmem:v34+s23+$0x0], $0xffff  }
0xf9: {  	v30 =	vor.u32 $0x17, v25;
	v26 =	vld.idx.msk [tilespmem:v33+s17+$0x0], $0xffff  }
0xfa: {  	v19 =	vadd.f32 v19, v20;
	v18 =	vmul.f32 v21, v18;
	v20 =	vmul.f32 v24, v29;
	v21 =	vld.idx.msk [tilespmem:v33+s23+$0x0], $0xffff  }
0xfb: {  	v29 =	vor.u32 $0x18, v25;
	v24 =	vld.idx.msk [tilespmem:v32+s17+$0x0], $0xffff  }
0xfc: {  	v18 =	vadd.f32 v18, v19;
	v17 =	vmul.f32 v20, v17;
	v19 =	vmul.f32 v23, v28;
	v20 =	vld.idx.msk [tilespmem:v32+s23+$0x0], $0xffff  }
0xfd: {  	v28 =	vor.u32 $0x19, v25;
	v23 =	vld.idx.msk [tilespmem:v31+s17+$0x0], $0xffff  }
0xfe: {  	v17 =	vadd.f32 v17, v18;
	v16 =	vmul.f32 v19, v16;
	v18 =	vmul.f32 v22, v27;
	v19 =	vld.idx.msk [tilespmem:v31+s23+$0x0], $0xffff  }
0xff: {  	v27 =	vor.u32 $0x1A, v25;
	v22 =	vld.idx.msk [tilespmem:v30+s17+$0x0], $0xffff  }
0x100: {  	v16 =	vadd.f32 v16, v17;
	v15 =	vmul.f32 v18, v15;
	v17 =	vmul.f32 v21, v26;
	v18 =	vld.idx.msk [tilespmem:v30+s23+$0x0], $0xffff  }
0x101: {  	v26 =	vor.u32 $0x1B, v25;
	v21 =	vld.idx.msk [tilespmem:v29+s17+$0x0], $0xffff  }
0x102: {  	v15 =	vadd.f32 v15, v16;
	v14 =	vmul.f32 v17, v14;
	v16 =	vmul.f32 v20, v24;
	v17 =	vld.idx.msk [tilespmem:v29+s23+$0x0], $0xffff  }
0x103: {  	v24 =	vor.u32 $0x1C, v25;
	v20 =	vld.idx.msk [tilespmem:v28+s17+$0x0], $0xffff  }
0x104: {  	v14 =	vadd.f32 v14, v15;
	v13 =	vmul.f32 v16, v13;
	v15 =	vmul.f32 v19, v23;
	v16 =	vld.idx.msk [tilespmem:v28+s23+$0x0], $0xffff  }
0x105: {  	v23 =	vor.u32 $0x1D, v25;
	v19 =	vld.idx.msk [tilespmem:v27+s17+$0x0], $0xffff  }
0x106: {  	v13 =	vadd.f32 v13, v14;
	v12 =	vmul.f32 v15, v12;
	v14 =	vmul.f32 v18, v22;
	v15 =	vld.idx.msk [tilespmem:v27+s23+$0x0], $0xffff  }
0x107: {  	v22 =	vor.u32 $0x1E, v25;
	v18 =	vld.idx.msk [tilespmem:v26+s17+$0x0], $0xffff  }
0x108: {  	v12 =	vadd.f32 v12, v13;
	v11 =	vmul.f32 v14, v11;
	v13 =	vmul.f32 v17, v21;
	v14 =	vld.idx.msk [tilespmem:v26+s23+$0x0], $0xffff  }
0x109: {  	v21 =	vor.u32 $0x1F, v25;
	v17 =	vld.idx.msk [tilespmem:v24+s17+$0x0], $0xffff  }
0x10a: {  	v11 =	vadd.f32 v11, v12;
	v10 =	vmul.f32 v13, v10;
	v12 =	vmul.f32 v16, v20;
	v13 =	vld.idx.msk [tilespmem:v24+s23+$0x0], $0xffff  }
0x10b: {  	v16 =	vld.idx.msk [tilespmem:v23+s17+$0x0], $0xffff  }
0x10c: {  	v10 =	vadd.f32 v10, v11;
	v9 =	vmul.f32 v12, v9;
	v11 =	vmul.f32 v15, v19;
	v12 =	vld.idx.msk [tilespmem:v23+s23+$0x0], $0xffff  }
0x10d: {  	v15 =	vld.idx.msk [tilespmem:v22+s17+$0x0], $0xffff  }
0x10e: {  	v9 =	vadd.f32 v9, v10;
	v8 =	vmul.f32 v11, v8;
	v10 =	vmul.f32 v14, v18;
	v11 =	vld.idx.msk [tilespmem:v22+s23+$0x0], $0xffff  }
0x10f: {  	v14 =	vld.idx.msk [tilespmem:v21+s17+$0x0], $0xffff  }
0x110: {  	v8 =	vadd.f32 v8, v9;
	v7 =	vmul.f32 v10, v7;
	v9 =	vmul.f32 v13, v17;
	v10 =	vld.idx.msk [tilespmem:v21+s23+$0x0], $0xffff  }
0x111: {  	v13 =	vld [tilespmem:$0x89E0]  }
0x112: {  	v7 =	vadd.f32 v7, v8;
	v8 =	vmul.f32 v9, v5;
	v9 =	vmul.f32 v12, v16;
	v12 =	vld [tilespmem:$0x89F0]  }
0x113: {  	v16 =	vld [tilespmem:$0x89D0]  }
0x114: {  	v17 =	vadd.f32 v8, v7;
	v6 =	vmul.f32 v9, v6;
	v9 =	vmul.f32 v11, v15;
	v5 =	vld [tilespmem:$0x89C0]  }
0x115: {  	v7 =	vld [tilespmem:$0x89B0]  }
0x116: {  	v15 =	vadd.f32 v6, v17;
	v8 =	vld [tilespmem:$0x89A0];
	v11 =	vmul.f32 v9, v13;
	v13 =	vmul.f32 v10, v14  }
0x117: {  	v9 =	vld [tilespmem:$0x8990]  }
0x118: {  	v10 =	vld [tilespmem:$0x8980];
	v14 =	vadd.f32 v11, v15;
	v13 =	vmul.f32 v13, v12;
	v6 =	vmov v16  }
0x119: {  	v11 =	vld [tilespmem:$0x8970]  }
0x11a: {  	v12 =	vld [tilespmem:$0x8960];
	v15 =	vadd.f32 v13, v14  }
0x11b: {  	s15 =	sadd.s32 $0x10, s15;
	v13 =	vld [tilespmem:$0x8950]  }
0x11c: {  	v14 =	vld [tilespmem:$0x8940];
	[tilespmem:s15+$0x0] =	vst v15  }
0x11d: {  	v15 =	vld [tilespmem:$0x8930]  }
0x11e: {  	v16 =	vld [tilespmem:$0x8920]  }
0x11f: {  	v17 =	vld [tilespmem:$0x8910]  }
0x120: {  	v18 =	vld [tilespmem:$0x8900]  }
0x121: {  	v19 =	vld [tilespmem:$0x88F0]  }
0x122: {  	v20 =	vld [tilespmem:$0x88E0]  }
0x123: {  	v21 =	vld [tilespmem:$0x88D0]  }
0x124: {  	v22 =	vld [tilespmem:$0x88C0]  }
0x125: {  	v23 =	vld [tilespmem:$0x88B0]  }
0x126: {  	v24 =	vld [tilespmem:$0x88A0]  }
0x127: {  	v26 =	vld [tilespmem:$0x8890]  }
.Ltmp0:
0x128: {  	v27 =	vld [tilespmem:$0x8880];
	(pc) =	sbr.rel @p0 .LBB2_2-.Ltmp0, $4  }
0x129: {  	v28 =	vld [tilespmem:$0x8870]  }
0x12a: {  	v29 =	vld [tilespmem:$0x8860]  }
0x12b: {  	v25 =	vmov s18;
	v30 =	vld [tilespmem:$0x8850]  }
0x12c: {  	s18 =	sadd.s32 $0x10, s18;
	v25 =	vshll.u32 v25, $0x5;
	v31 =	vld [tilespmem:$0x8840]  }
0x12d: {  	v25 =	vor.u32 v0, v25;
	v32 =	vld [tilespmem:$0x8830]  }
0x12e: {  	v33 =	vld [tilespmem:$0x8820]  }
0x12f: {  	v34 =	vld [tilespmem:$0x8810];
	s14 =	sadd.s32 $0x10, s14;
	v35 =	vor.u32 $0x1, v25  }
0x130: {  	v36 =	vld [tilespmem:s14+$0x0]  }
0x131: {  	v37 =	vld [tilespmem:s14+$0xFFFFFE00];
	v38 =	vor.u32 $0x2, v25  }
0x132: {  	v39 =	vld.idx.msk [tilespmem:v25+s17+$0x0], $0xffff  }
0x133: {  	v41 =	vor.u32 $0x3, v25;
	v40 =	vld.idx.msk [tilespmem:v25+s23+$0x0], $0xffff  }
0x134: {  	v42 =	vld.idx.msk [tilespmem:v35+s17+$0x0], $0xffff  }
0x135: {  	v43 =	vor.u32 $0x4, v25;
	v35 =	vld.idx.msk [tilespmem:v35+s23+$0x0], $0xffff  }
0x136: {  	v44 =	vld.idx.msk [tilespmem:v38+s17+$0x0], $0xffff  }
0x137: {  	v54 =	vor.u32 $0x5, v25;
	v4 =	vmul.f32 v37, v4;
	v53 =	vld.idx.msk [tilespmem:v38+s23+$0x0], $0xffff  }
0x138: {  	v46 =	vor.u32 $0x6, v25;
	v45 =	vld.idx.msk [tilespmem:v41+s17+$0x0], $0xffff  }
0x139: {  	v2 =	vmul.f32 v36, v2;
	v56 =	vld.idx.msk [tilespmem:v41+s23+$0x0], $0xffff;
	v3 =	vadd.f32 v4, v3;
	v55 =	vmul.f32 v40, v39  }
0x13a: {  	v58 =	vor.u32 $0x7, v25;
	v57 =	vld.idx.msk [tilespmem:v43+s17+$0x0], $0xffff  }
0x13b: {  	v59 =	vld.idx.msk [tilespmem:v43+s23+$0x0], $0xffff;
	v2 =	vadd.f32 v2, v3;
	v3 =	vmul.f32 v35, v42;
	v1 =	vmul.f32 v55, v1  }
0x13c: {  	v61 =	vor.u32 $0x8, v25;
	v60 =	vld.idx.msk [tilespmem:v54+s17+$0x0], $0xffff  }
0x13d: {  	v62 =	vld.idx.msk [tilespmem:v54+s23+$0x0], $0xffff;
	v1 =	vadd.f32 v1, v2;
	v2 =	vmul.f32 v3, v34;
	v3 =	vmul.f32 v53, v44  }
0x13e: {  	v50 =	vor.u32 $0xA, v25;
	v63 =	vld.idx.msk [tilespmem:v46+s17+$0x0], $0xffff  }
0x13f: {  	v48 =	vld.idx.msk [tilespmem:v46+s23+$0x0], $0xffff;
	v1 =	vadd.f32 v2, v1;
	v2 =	vmul.f32 v3, v33;
	v3 =	vmul.f32 v56, v45  }
0x140: {  	v47 =	vor.u32 $0x9, v25;
	v49 =	vld.idx.msk [tilespmem:v58+s17+$0x0], $0xffff  }
0x141: {  	v51 =	vld.idx.msk [tilespmem:v58+s23+$0x0], $0xffff;
	v1 =	vadd.f32 v2, v1;
	v2 =	vmul.f32 v3, v32;
	v3 =	vmul.f32 v59, v57  }
0x142: {  	v52 =	vld.idx.msk [tilespmem:v61+s17+$0x0], $0xffff;
	v39 =	vor.u32 $0xF, v25  }
0x143: {  	v54 =	vld.idx.msk [tilespmem:v61+s23+$0x0], $0xffff;
	v1 =	vadd.f32 v2, v1;
	v2 =	vmul.f32 v3, v31;
	v3 =	vmul.f32 v62, v60  }
0x144: {  	v58 =	vld.idx.msk [tilespmem:v50+s17+$0x0], $0xffff;
	v53 =	vor.u32 $0xB, v25  }
0x145: {  	v55 =	vld.idx.msk [tilespmem:v47+s17+$0x0], $0xffff;
	v1 =	vadd.f32 v2, v1;
	v2 =	vmul.f32 v3, v30;
	v3 =	vmul.f32 v48, v63  }
0x146: {  	v56 =	vor.u32 $0xC, v25;
	v57 =	vld.idx.msk [tilespmem:v47+s23+$0x0], $0xffff  }
0x147: {  	v47 =	vld.idx.msk [tilespmem:v39+s17+$0x0], $0xffff;
	v1 =	vadd.f32 v2, v1;
	v2 =	vmul.f32 v3, v29;
	v3 =	vmul.f32 v51, v49  }
0x148: {  	v59 =	vor.u32 $0xD, v25;
	v60 =	vld.idx.msk [tilespmem:v50+s23+$0x0], $0xffff  }
0x149: {  	v61 =	vld.idx.msk [tilespmem:v53+s17+$0x0], $0xffff;
	v1 =	vadd.f32 v2, v1;
	v2 =	vmul.f32 v3, v28;
	v3 =	vmul.f32 v54, v52  }
0x14a: {  	v62 =	vor.u32 $0xE, v25;
	v63 =	vld.idx.msk [tilespmem:v53+s23+$0x0], $0xffff  }
0x14b: {  	v38 =	vld.idx.msk [tilespmem:v56+s17+$0x0], $0xffff;
	v1 =	vadd.f32 v2, v1;
	v2 =	vmul.f32 v3, v27;
	v3 =	vmul.f32 v57, v55  }
0x14c: {  	v42 =	vor.u32 $0x10, v25;
	v40 =	vld.idx.msk [tilespmem:v56+s23+$0x0], $0xffff  }
0x14d: {  	v41 =	vld.idx.msk [tilespmem:v59+s17+$0x0], $0xffff;
	v1 =	vadd.f32 v2, v1;
	v2 =	vmul.f32 v3, v26;
	v3 =	vmul.f32 v60, v58  }
0x14e: {  	v45 =	vor.u32 $0x11, v25;
	v43 =	vld.idx.msk [tilespmem:v59+s23+$0x0], $0xffff  }
0x14f: {  	v44 =	vld.idx.msk [tilespmem:v62+s17+$0x0], $0xffff;
	v1 =	vadd.f32 v2, v1;
	v2 =	vmul.f32 v3, v24;
	v3 =	vmul.f32 v63, v61  }
0x150: {  	v48 =	vor.u32 $0x12, v25;
	v46 =	vld.idx.msk [tilespmem:v62+s23+$0x0], $0xffff  }
0x151: {  	v50 =	vld.idx.msk [tilespmem:v42+s17+$0x0], $0xffff;
	v1 =	vadd.f32 v2, v1;
	v2 =	vmul.f32 v3, v23;
	v3 =	vmul.f32 v40, v38  }
0x152: {  	v49 =	vld.idx.msk [tilespmem:v39+s23+$0x0], $0xffff;
	v51 =	vor.u32 $0x13, v25  }
0x153: {  	v53 =	vld.idx.msk [tilespmem:v45+s17+$0x0], $0xffff;
	v1 =	vadd.f32 v2, v1;
	v2 =	vmul.f32 v3, v22;
	v3 =	vmul.f32 v43, v41  }
0x154: {  	v52 =	vld.idx.msk [tilespmem:v42+s23+$0x0], $0xffff;
	v54 =	vor.u32 $0x14, v25  }
0x155: {  	v56 =	vld.idx.msk [tilespmem:v48+s17+$0x0], $0xffff;
	v1 =	vadd.f32 v2, v1;
	v2 =	vmul.f32 v3, v21;
	v3 =	vmul.f32 v46, v44  }
0x156: {  	v55 =	vld.idx.msk [tilespmem:v45+s23+$0x0], $0xffff;
	v57 =	vor.u32 $0x15, v25  }
0x157: {  	v59 =	vld.idx.msk [tilespmem:v51+s17+$0x0], $0xffff;
	v1 =	vadd.f32 v2, v1;
	v2 =	vmul.f32 v3, v20;
	v3 =	vmul.f32 v49, v47  }
0x158: {  	v58 =	vld.idx.msk [tilespmem:v48+s23+$0x0], $0xffff;
	v60 =	vor.u32 $0x16, v25  }
0x159: {  	v62 =	vld.idx.msk [tilespmem:v54+s17+$0x0], $0xffff;
	v1 =	vadd.f32 v2, v1;
	v2 =	vmul.f32 v3, v19;
	v3 =	vmul.f32 v52, v50  }
0x15a: {  	v48 =	vor.u32 $0x1D, v25;
	v61 =	vld.idx.msk [tilespmem:v51+s23+$0x0], $0xffff  }
0x15b: {  	v31 =	vld.idx.msk [tilespmem:v54+s23+$0x0], $0xffff;
	v1 =	vadd.f32 v2, v1;
	v2 =	vmul.f32 v3, v18;
	v3 =	vmul.f32 v55, v53  }
0x15c: {  	v63 =	vor.u32 $0x17, v25;
	v32 =	vld.idx.msk [tilespmem:v57+s17+$0x0], $0xffff  }
0x15d: {  	v34 =	vld.idx.msk [tilespmem:v57+s23+$0x0], $0xffff;
	v1 =	vadd.f32 v2, v1;
	v2 =	vmul.f32 v3, v17;
	v3 =	vmul.f32 v58, v56  }
0x15e: {  	v33 =	vor.u32 $0x18, v25;
	v35 =	vld.idx.msk [tilespmem:v60+s17+$0x0], $0xffff  }
0x15f: {  	v37 =	vld.idx.msk [tilespmem:v60+s23+$0x0], $0xffff;
	v1 =	vadd.f32 v2, v1;
	v2 =	vmul.f32 v3, v16;
	v3 =	vmul.f32 v61, v59  }
0x160: {  	v36 =	vor.u32 $0x19, v25;
	v57 =	vld.idx.msk [tilespmem:v48+s23+$0x0], $0xffff  }
0x161: {  	v38 =	vld.idx.msk [tilespmem:v63+s17+$0x0], $0xffff;
	v1 =	vadd.f32 v2, v1;
	v2 =	vmul.f32 v3, v15;
	v3 =	vmul.f32 v31, v62  }
0x162: {  	v39 =	vor.u32 $0x1A, v25;
	v40 =	vld.idx.msk [tilespmem:v63+s23+$0x0], $0xffff  }
0x163: {  	v41 =	vld.idx.msk [tilespmem:v33+s17+$0x0], $0xffff;
	v1 =	vadd.f32 v2, v1;
	v2 =	vmul.f32 v3, v14;
	v3 =	vmul.f32 v34, v32  }
0x164: {  	v42 =	vor.u32 $0x1B, v25;
	v43 =	vld.idx.msk [tilespmem:v33+s23+$0x0], $0xffff  }
0x165: {  	v44 =	vld.idx.msk [tilespmem:v36+s17+$0x0], $0xffff;
	v1 =	vadd.f32 v2, v1;
	v2 =	vmul.f32 v3, v13;
	v3 =	vmul.f32 v37, v35  }
0x166: {  	v45 =	vor.u32 $0x1C, v25;
	v46 =	vld.idx.msk [tilespmem:v36+s23+$0x0], $0xffff  }
0x167: {  	v47 =	vld.idx.msk [tilespmem:v39+s17+$0x0], $0xffff;
	v1 =	vadd.f32 v2, v1;
	v2 =	vmul.f32 v3, v12;
	v3 =	vmul.f32 v40, v38  }
0x168: {  	v54 =	vor.u32 $0x1F, v25;
	v49 =	vld.idx.msk [tilespmem:v39+s23+$0x0], $0xffff  }
0x169: {  	v50 =	vld.idx.msk [tilespmem:v42+s17+$0x0], $0xffff;
	v1 =	vadd.f32 v2, v1;
	v2 =	vmul.f32 v3, v11;
	v3 =	vmul.f32 v43, v41  }
0x16a: {  	v51 =	vor.u32 $0x1E, v25;
	v52 =	vld.idx.msk [tilespmem:v42+s23+$0x0], $0xffff  }
0x16b: {  	v53 =	vld.idx.msk [tilespmem:v45+s17+$0x0], $0xffff;
	v1 =	vadd.f32 v2, v1;
	v2 =	vmul.f32 v3, v10;
	v3 =	vmul.f32 v46, v44  }
0x16c: {  	v55 =	vld.idx.msk [tilespmem:v45+s23+$0x0], $0xffff  }
0x16d: {  	v60 =	vld.idx.msk [tilespmem:v54+s17+$0x0], $0xffff;
	v1 =	vadd.f32 v2, v1;
	v2 =	vmul.f32 v3, v9;
	v3 =	vmul.f32 v49, v47  }
0x16e: {  	v56 =	vld.idx.msk [tilespmem:v48+s17+$0x0], $0xffff  }
0x16f: {  	v58 =	vld.idx.msk [tilespmem:v51+s17+$0x0], $0xffff;
	v1 =	vadd.f32 v2, v1;
	v2 =	vmul.f32 v3, v8;
	v3 =	vmul.f32 v52, v50  }
0x170: {  	v59 =	vld.idx.msk [tilespmem:v51+s23+$0x0], $0xffff  }
0x171: {  	v61 =	vld.idx.msk [tilespmem:v54+s23+$0x0], $0xffff;
	v1 =	vadd.f32 v2, v1;
	v2 =	vmul.f32 v3, v7;
	v3 =	vmul.f32 v55, v53  }
0x172: {  	v62 =	vld [tilespmem:$0x89E0]  }
0x173: {  	v1 =	vadd.f32 v2, v1;
	v2 =	vmul.f32 v3, v5;
	v3 =	vmul.f32 v57, v56  }
0x174: {  	v63 =	vld [tilespmem:$0x89F0]  }
0x175: {  	v1 =	vadd.f32 v2, v1;
	v2 =	vmul.f32 v3, v6;
	v3 =	vmul.f32 v59, v58;
	_ =	sdelay $0x1  }
0x176: {  	v1 =	vadd.f32 v2, v1;
	v2 =	vmul.f32 v3, v62;
	v3 =	vmul.f32 v61, v60;
	_ =	sdelay $0x1  }
0x177: {  	v1 =	vadd.f32 v2, v1;
	v2 =	vmul.f32 v3, v63;
	_ =	sdelay $0x1  }
0x178: {  	s1 =	sadd.s32 $0x1, s1;
	v1 =	vadd.f32 v2, v1  }
0x179: {  	s18 =	sadd.s32 $0x10, s15;
	p0 =	sne.s32 s1, s11  }
.Ltmp1:
0x17a: {  	[tilespmem:s18+$0x0] =	vst v1;
	(pc) =	sbr.rel @p0 .LBB2_1-.Ltmp1, $4  }
0x17b: {  	[hbm4b:s10+s2] =	stream.linear.scatter [tilespmem:s0], [sflag:$0x2], $0x200, $0x38;
	[tilespmem:$0x8C30] =	vst v63  }
0x17c: {  	_ =	swait.ge [sflag:s12], $0x200  }
0x17d: {  	[sflag:s12] =	ssyncset.done $0x0  }
0x17e: {  	[sflag:s12] =	ssyncadd.s32 $0xFFFFFE00  }
0x17f: {  	_ =	sfence.sel $0x180000  }
0x180: {  	[bflag:$0x0] =	sbarrier.arrive $0xFFFF  }
0x181: {  	_ =	strace $0x90000047  }
0x182: {  	s0 =	stileid.u32;
	[bflag:$0x2] =	sbarrier.arrive $0xFFFF  }
0x183: {  	p0 =	sne.s32 s0, $0x0;
	s0 =	rddreg [dreg:$0x4]  }
0x184: {  	s0 =	sadd.s32 @!p0 $0x100000, s0  }
0x185: {  	[sflag:s0] =	ssyncadd.tile.s32 @!p0 $0x1;
	_ =	shalt  }
.Lfunc_end2:
_tile_overlayer_lowered:
.L_overlay_start_2:
0x186: {  	(tag) =	ssettag $0x2  }
0x187: {  	s0 =	rddreg [dreg:$0x0];
	s2 =	stileid.u32  }
0x188: {  	s1 =	rddreg [dreg:$0x1];
	p0 =	sne.s32 s2, $0x0  }
0x189: {  	s3 =	rddreg [dreg:$0x2];
	[bflag:$0x3] =	sbarrier.arrive $0xFFFF;
	s2 =	simm.s32 @!p0 $0x1C01  }
0x18a: {  	[timem:s3], [sflag:s2] =	dma.local @!p0 [hbm:s0], s1  }
0x18b: {  	s0 =	simm.s32 @!p0 $0x1  }
0x18c: {  	_ =	swait.ge @!p0 [sflag:s0], s1  }
0x18d: {  	s1 =	ssub.s32 @!p0 $0x0, s1;
	[sflag:s0] =	ssyncset.done @!p0 $0x0  }
0x18e: {  	[sflag:s0] =	ssyncadd.s32 @!p0 s1  }
0x18f: {  	[bflag:$0x3] =	sbarrier.arrive $0xFFFF  }
0x190: {  	_ =	shalt  }

</sc_bundles>
